<compile_context>
chip_gen: v7x
topology: tpu7x:2x2x1
jax: 0.10.2.dev20260603
libtpu: 0.0.44.dev20260713+nightly
codegen_flags: <defaults>
</compile_context>

<pallas_src>
import functools

import jax
import jax.numpy as jnp
from jax import lax
from jax.experimental import pallas as pl
from jax.experimental.pallas import tpu as pltpu
from jax.experimental.pallas import tpu_sc as plsc

NC = 2
NS = 16
NW = NC * NS
CH = 80


def _make_sc_agg(n, e, d, nch):
    ts = (n // NS) // 8 * 8
    rem = n - ts * NS
    assert rem % 8 == 0
    mesh = plsc.VectorSubcoreMesh(core_axis_name="c", subcore_axis_name="s")

    @functools.partial(
        pl.kernel,
        out_type=jax.ShapeDtypeStruct((NC, n, d), jnp.float32),
        mesh=mesh,
        scratch_types=[
            pltpu.VMEM((1, CH), jnp.int32),
            pltpu.VMEM((1, CH), jnp.int32),
            pltpu.VMEM((CH, d), jnp.float32),
            pltpu.VMEM((CH, d), jnp.float32),
            pltpu.VMEM_SHARED((n, d), jnp.float32),
            pltpu.SemaphoreType.DMA,
            pltpu.SemaphoreType.DMA,
        ],
    )
    def sc_agg(x_hbm, src_hbm, dst_hbm, ea_hbm, zero_hbm, out_hbm,
               src_v, dst_v, rows_v, ea_v, agg_sh, sem_g, sem_e):
        c = lax.axis_index("c")
        s = lax.axis_index("s")
        wid = c * NS + s

        pltpu.sync_copy(zero_hbm.at[pl.ds(s * ts, ts)],
                        agg_sh.at[pl.ds(s * ts, ts)])
        if rem:
            @pl.when(s == 0)
            def _():
                pltpu.sync_copy(zero_hbm.at[pl.ds(ts * NS, rem)],
                                agg_sh.at[pl.ds(ts * NS, rem)])
        plsc.subcore_barrier()

        def chunk(j, carry):
            pltpu.sync_copy(src_hbm.at[wid, j], src_v.at[0])
            pltpu.sync_copy(dst_hbm.at[wid, j], dst_v.at[0])
            g = pltpu.async_copy(x_hbm.at[src_v.at[0]], rows_v, sem_g)
            a = pltpu.async_copy(ea_hbm.at[wid, j], ea_v, sem_e)
            g.wait()
            a.wait()

            def row(r, carry2):
                for cc in range(d // 16):
                    sl = pl.ds(cc * 16, 16)
                    rows_v[r, sl] = jnp.maximum(
                        rows_v[r, sl] + ea_v[r, sl], 0.0)
                return carry2

            lax.fori_loop(0, CH, row, 0)
            pltpu.sync_copy(rows_v, agg_sh.at[dst_v.at[0]], add=True)
            return carry

        lax.fori_loop(0, nch, chunk, 0)
        plsc.subcore_barrier()
        pltpu.sync_copy(agg_sh.at[pl.ds(s * ts, ts)],
                        out_hbm.at[c, pl.ds(s * ts, ts)])
        if rem:
            @pl.when(s == 0)
            def _():
                pltpu.sync_copy(agg_sh.at[pl.ds(ts * NS, rem)],
                                out_hbm.at[c, pl.ds(ts * NS, rem)])

    return sc_agg


def _passA_body(eps_ref, x_ref, a0_ref, a1_ref, m_ref, w1_ref, b1_ref,
                w2_ref, b2_ref, out_ref, st_ref):
    x = x_ref[...]
    h0 = (1.0 + eps_ref[0, 0]) * x + (a0_ref[...] + a1_ref[...])
    h1 = jnp.maximum(
        jnp.dot(h0, w1_ref[...], preferred_element_type=jnp.float32,
                precision=lax.Precision.HIGHEST) + b1_ref[...], 0.0)
    h2 = jnp.dot(h1, w2_ref[...], preferred_element_type=jnp.float32,
                 precision=lax.Precision.HIGHEST) + b2_ref[...]
    xn = m_ref[...] * h2 + x
    out_ref[...] = xn
    ps = jnp.sum(xn, axis=0, keepdims=True)
    pq = jnp.sum(xn * xn, axis=0, keepdims=True)
    st = jnp.concatenate([ps, pq], axis=0)

    @pl.when(pl.program_id(0) == 0)
    def _():
        st_ref[...] = st

    @pl.when(pl.program_id(0) > 0)
    def _():
        st_ref[...] += st


def _passB_body(n, st_ref, g_ref, be_ref, xn_ref, out_ref):
    mean = st_ref[0:1, :] * (1.0 / n)
    msq = st_ref[1:2, :] * (1.0 / n)
    var = msq - mean * mean
    inv = lax.rsqrt(var + 1e-5)
    out_ref[...] = jnp.maximum(
        (xn_ref[...] - mean) * inv * g_ref[...] + be_ref[...], 0.0)


def _make_tc(n, d, bn):
    nb = n // bn
    grid = (nb,)
    row_spec = pl.BlockSpec((bn, d), lambda i: (i, 0))
    full_spec = pl.BlockSpec((d, d), lambda i: (0, 0))
    vec_spec = pl.BlockSpec((1, d), lambda i: (0, 0))

    passA = pl.pallas_call(
        _passA_body,
        grid=grid,
        in_specs=[
            pl.BlockSpec((1, 1), lambda i: (0, 0)),
            row_spec, row_spec, row_spec, row_spec,
            full_spec, vec_spec, full_spec, vec_spec,
        ],
        out_specs=[row_spec, pl.BlockSpec((2, d), lambda i: (0, 0))],
        out_shape=[
            jax.ShapeDtypeStruct((n, d), jnp.float32),
            jax.ShapeDtypeStruct((2, d), jnp.float32),
        ],
    )

    passB = pl.pallas_call(
        functools.partial(_passB_body, n),
        grid=grid,
        in_specs=[
            pl.BlockSpec((2, d), lambda i: (0, 0)),
            vec_spec, vec_spec,
            row_spec,
        ],
        out_specs=row_spec,
        out_shape=jax.ShapeDtypeStruct((n, d), jnp.float32),
    )
    return passA, passB


def kernel(x, edge_index, edge_attr, masks, W1, b1, W2, b2, eps, gamma, beta):
    n, d = x.shape
    e = edge_index.shape[1]
    nlayers = W1.shape[0]
    assert e % (NW * CH) == 0 and n % NS == 0 and d % 16 == 0
    nch = e // (NW * CH)

    src = edge_index[0].reshape(NW, nch, CH)
    dst = edge_index[1].reshape(NW, nch, CH)
    ear = edge_attr.reshape(NW, nch, CH, d)
    zero = jnp.zeros((n, d), jnp.float32)

    sc_agg = _make_sc_agg(n, e, d, nch)
    passA, passB = _make_tc(n, d, 400)

    for l in range(nlayers):
        aggp = sc_agg(x, src, dst, ear, zero)
        xn, st = passA(eps[l].reshape(1, 1), x, aggp[0], aggp[1],
                       jnp.broadcast_to(masks[l][:, None], (n, d)),
                       W1[l], b1[l].reshape(1, d), W2[l], b2[l].reshape(1, d))
        x = passB(st, gamma[l].reshape(1, d), beta[l].reshape(1, d), xn)
    return x

# --- scband reference (transcript-rebuilt; emitter-appended) ---
"""Pipeline reference for scband-vgnconv-layer-v2-34041910788488 (READ-ONLY COPY).

The authoritative reference and input builder live on the scoring server;
editing this copy changes nothing except your own understanding.
"""

import jax, jax.numpy as jnp
import numpy as np

N = 10000
E = 320000
D = 128
L = 3
SCALING = 1.0


def setup_inputs(seed: int = 0) -> dict:
    key = jax.random.key(seed)
    ks = jax.random.split(key, 8)
    x = jax.random.normal(ks[0], (N, D), dtype=jnp.float32)
    edge_index = jax.random.randint(ks[1], (2, E), 0, N, dtype=jnp.int32)
    edge_attr = jax.random.normal(ks[2], (E, D), dtype=jnp.float32)
    masks = jax.random.uniform(ks[3], (L, N), dtype=jnp.float32)
    W1 = jax.random.normal(ks[4], (L, D, D), dtype=jnp.float32) * 0.05
    b1 = jnp.zeros((L, D), dtype=jnp.float32)
    W2 = jax.random.normal(ks[5], (L, D, D), dtype=jnp.float32) * 0.05
    b2 = jnp.zeros((L, D), dtype=jnp.float32)
    eps = jnp.zeros((L,), dtype=jnp.float32)
    gamma = jnp.ones((L, D), dtype=jnp.float32)
    beta = jnp.zeros((L, D), dtype=jnp.float32)
    return {"x": x, "edge_index": edge_index, "edge_attr": edge_attr, "masks": masks,
            "W1": W1, "b1": b1, "W2": W2, "b2": b2, "eps": eps, "gamma": gamma, "beta": beta}


def reference(x, edge_index, edge_attr, masks, W1, b1, W2, b2, eps, gamma, beta):
    m = SCALING * masks
    src = edge_index[0]
    dst = edge_index[1]
    n = x.shape[0]
    for l in range(L):
        x_in = x
        # GINEConv message: relu(x_j + edge_attr), aggregated by sum at dst
        msg = jax.nn.relu(jnp.take(x, src, axis=0) + edge_attr)
        agg = jax.ops.segment_sum(msg, dst, num_segments=n)
        h = (1.0 + eps[l]) * x + agg
        # MLP: Linear -> ReLU -> Linear
        h = jax.nn.relu(h @ W1[l] + b1[l]) @ W2[l] + b2[l]
        # residual with per-node mask scaling
        x = m[l][:, None] * h + x_in
        # BatchNorm1d (training mode: batch statistics)
        mean = jnp.mean(x, axis=0)
        var = jnp.var(x, axis=0)
        x = (x - mean) / jnp.sqrt(var + 1e-5) * gamma[l] + beta[l]
        x = jax.nn.relu(x)
        # dropout p=0.0 -> identity
    return x

if __name__ == "__main__":
    import jax
    _d = setup_inputs()
    print(jax.jit(kernel)(*tuple(_d.values())))

</pallas_src>

<mosaic_0001>
#map = affine_map<(d0, d1) -> (0, 0)>
#map1 = affine_map<(d0, d1) -> (0, 0, 0)>
#map2 = affine_map<(d0, d1) -> (0, 0, 0, 0)>
module attributes {stable_mosaic.version = 14 : i64} {
  func.func @sc_agg(%arg0: i32, %arg1: i32, %arg2: memref<10000x128xf32, #tpu.memory_space<hbm>>, %arg3: memref<32x125x80xi32, #tpu.memory_space<hbm>>, %arg4: memref<32x125x80xi32, #tpu.memory_space<hbm>>, %arg5: memref<32x125x80x128xf32, #tpu.memory_space<hbm>>, %arg6: memref<10000x128xf32, #tpu.memory_space<hbm>>, %arg7: memref<2x10000x128xf32, #tpu.memory_space<hbm>>, %arg8: memref<1x80xi32, #tpu.memory_space<vmem>>, %arg9: memref<1x80xi32, #tpu.memory_space<vmem>>, %arg10: memref<80x128xf32, #tpu.memory_space<vmem>>, %arg11: memref<80x128xf32, #tpu.memory_space<vmem>>, %arg12: memref<10000x128xf32, #tpu.memory_space<vmem_shared>>, %arg13: memref<!tpu.dma_semaphore, #tpu.memory_space<semaphore_mem>>, %arg14: memref<!tpu.dma_semaphore, #tpu.memory_space<semaphore_mem>>) attributes {dimension_semantics = [#tpu.dimension_semantics<core_parallel>, #tpu.dimension_semantics<subcore_parallel>], iteration_bounds = array<i64: 2, 16>, scalar_prefetch = 0 : i64, scratch_operands = 7 : i64, tpu.core_type = #tpu.core_type<sc_vector_subcore>, window_params = [{transform_indices = #map}, {transform_indices = #map1}, {transform_indices = #map1}, {transform_indices = #map2}, {transform_indices = #map}, {transform_indices = #map1}]} {
    %mul3A = arith.constant 16 : i32
    %mul3A_0 = arith.muli %arg0, %mul3A : i32
    %add3A = arith.addi %mul3A_0, %arg1 : i32
    %mul3A_1 = arith.constant 624 : i32
    %mul3A_2 = arith.muli %arg1, %mul3A_1 : i32
    %mul3A_3 = arith.constant 624 : i32
    %mul3A_4 = arith.muli %arg1, %mul3A_3 : i32
    "tpu.region"() ({
      %run_scoped3A = tpu.sem_alloc : memref<!tpu.dma_semaphore, #tpu.memory_space<semaphore_mem>>
      %dma_start3A = arith.constant 0 : i32
      %dma_start3A_22 = tpu.memref_slice %arg12[%mul3A_4, %dma_start3A] : memref<10000x128xf32, #tpu.memory_space<vmem_shared>> -> memref<624x128xf32, #tpu.memory_space<vmem_shared>>
      %dma_start3A_23 = arith.constant 0 : i32
      %dma_start3A_24 = tpu.memref_slice %arg6[%mul3A_2, %dma_start3A_23] : memref<10000x128xf32, #tpu.memory_space<hbm>> -> memref<624x128xf32, #tpu.memory_space<hbm>>
      tpu.enqueue_dma source(%dma_start3A_24 : memref<624x128xf32, #tpu.memory_space<hbm>>) target(%dma_start3A_22 : memref<624x128xf32, #tpu.memory_space<vmem_shared>>) target_semaphore(%run_scoped3A : memref<!tpu.dma_semaphore, #tpu.memory_space<semaphore_mem>>)
      %dma_wait3A = arith.constant 0 : i32
      %dma_wait3A_25 = tpu.memref_slice %arg12[%mul3A_4, %dma_wait3A] : memref<10000x128xf32, #tpu.memory_space<vmem_shared>> -> memref<624x128xf32, #tpu.memory_space<vmem_shared>>
      %dma_wait3A_26 = arith.constant 0 : i32
      %dma_wait3A_27 = tpu.memref_slice %arg6[%mul3A_2, %dma_wait3A_26] : memref<10000x128xf32, #tpu.memory_space<hbm>> -> memref<624x128xf32, #tpu.memory_space<hbm>>
      tpu.wait_dma2 semaphore(%run_scoped3A : memref<!tpu.dma_semaphore, #tpu.memory_space<semaphore_mem>>) src(%dma_wait3A_27 : memref<624x128xf32, #tpu.memory_space<hbm>>) dst(%dma_wait3A_25 : memref<624x128xf32, #tpu.memory_space<vmem_shared>>)
      tpu.yield
    }) : () -> ()
    %eq3A = arith.constant 0 : i32
    %eq3A_5 = arith.cmpi eq, %arg1, %eq3A : i32
    %convert_element_type3A = arith.extui %eq3A_5 : i1 to i32
    %cond3A = arith.constant 0 : i32
    %cond3A_6 = arith.cmpi ne, %convert_element_type3A, %cond3A : i32
    scf.if %cond3A_6 {
      "tpu.region"() ({
        %run_scoped3A = tpu.sem_alloc : memref<!tpu.dma_semaphore, #tpu.memory_space<semaphore_mem>>
        %dma_start3A = arith.constant 9984 : i32
        %dma_start3A_22 = arith.constant 0 : i32
        %dma_start3A_23 = tpu.memref_slice %arg12[%dma_start3A, %dma_start3A_22] : memref<10000x128xf32, #tpu.memory_space<vmem_shared>> -> memref<16x128xf32, #tpu.memory_space<vmem_shared>>
        %dma_start3A_24 = arith.constant 9984 : i32
        %dma_start3A_25 = arith.constant 0 : i32
        %dma_start3A_26 = tpu.memref_slice %arg6[%dma_start3A_24, %dma_start3A_25] : memref<10000x128xf32, #tpu.memory_space<hbm>> -> memref<16x128xf32, #tpu.memory_space<hbm>>
        tpu.enqueue_dma source(%dma_start3A_26 : memref<16x128xf32, #tpu.memory_space<hbm>>) target(%dma_start3A_23 : memref<16x128xf32, #tpu.memory_space<vmem_shared>>) target_semaphore(%run_scoped3A : memref<!tpu.dma_semaphore, #tpu.memory_space<semaphore_mem>>)
        %dma_wait3A = arith.constant 9984 : i32
        %dma_wait3A_27 = arith.constant 0 : i32
        %dma_wait3A_28 = tpu.memref_slice %arg12[%dma_wait3A, %dma_wait3A_27] : memref<10000x128xf32, #tpu.memory_space<vmem_shared>> -> memref<16x128xf32, #tpu.memory_space<vmem_shared>>
        %dma_wait3A_29 = arith.constant 9984 : i32
        %dma_wait3A_30 = arith.constant 0 : i32
        %dma_wait3A_31 = tpu.memref_slice %arg6[%dma_wait3A_29, %dma_wait3A_30] : memref<10000x128xf32, #tpu.memory_space<hbm>> -> memref<16x128xf32, #tpu.memory_space<hbm>>
        tpu.wait_dma2 semaphore(%run_scoped3A : memref<!tpu.dma_semaphore, #tpu.memory_space<semaphore_mem>>) src(%dma_wait3A_31 : memref<16x128xf32, #tpu.memory_space<hbm>>) dst(%dma_wait3A_28 : memref<16x128xf32, #tpu.memory_space<vmem_shared>>)
        tpu.yield
      }) : () -> ()
    } else {
    }
    %barrier3A = arith.constant 0 : index
    tpu.barrier barrier_id(%barrier3A)
    %scan3A = arith.constant 0 : i32
    %scan3A_7 = arith.constant 0 : i32
    %scan3A_8 = arith.constant 125 : i32
    %scan3A_9 = arith.addi %scan3A_7, %scan3A_8 : i32
    %scan3A_10 = arith.constant 1 : i32
    scf.for %scan3A_22 = %scan3A_7 to %scan3A_9 step %scan3A_10  : i32 {
      %run_scoped3A = arith.constant 0 : i32
      "tpu.region"() ({
        %run_scoped3A_59 = tpu.sem_alloc : memref<!tpu.dma_semaphore, #tpu.memory_space<semaphore_mem>>
        %dma_start3A_60 = arith.constant 0 : i32
        %dma_start3A_61 = tpu.memref_slice %arg8[%run_scoped3A, %dma_start3A_60] : memref<1x80xi32, #tpu.memory_space<vmem>> -> memref<1x80xi32, #tpu.memory_space<vmem>>
        %dma_start3A_62 = tpu.memref_squeeze %dma_start3A_61 : memref<1x80xi32, #tpu.memory_space<vmem>> -> memref<80xi32, #tpu.memory_space<vmem>>
        %dma_start3A_63 = arith.constant 0 : i32
        %dma_start3A_64 = tpu.memref_slice %arg3[%add3A, %scan3A_22, %dma_start3A_63] : memref<32x125x80xi32, #tpu.memory_space<hbm>> -> memref<1x1x80xi32, #tpu.memory_space<hbm>>
        %dma_start3A_65 = tpu.memref_squeeze %dma_start3A_64 : memref<1x1x80xi32, #tpu.memory_space<hbm>> -> memref<80xi32, #tpu.memory_space<hbm>>
        %dma_start3A_66 = arith.constant 0 : i32
        %dma_start3A_67 = tpu.memref_slice %arg8[%run_scoped3A, %dma_start3A_66] : memref<1x80xi32, #tpu.memory_space<vmem>> -> memref<1x80xi32, #tpu.memory_space<vmem>>
        %dma_start3A_68 = tpu.memref_squeeze %dma_start3A_67 : memref<1x80xi32, #tpu.memory_space<vmem>> -> memref<80xi32, #tpu.memory_space<vmem>>
        %dma_start3A_69 = arith.constant 0 : i32
        %dma_start3A_70 = tpu.memref_slice %arg3[%add3A, %scan3A_22, %dma_start3A_69] : memref<32x125x80xi32, #tpu.memory_space<hbm>> -> memref<1x1x80xi32, #tpu.memory_space<hbm>>
        %dma_start3A_71 = tpu.memref_squeeze %dma_start3A_70 : memref<1x1x80xi32, #tpu.memory_space<hbm>> -> memref<80xi32, #tpu.memory_space<hbm>>
        tpu.enqueue_dma source(%dma_start3A_71 : memref<80xi32, #tpu.memory_space<hbm>>) target(%dma_start3A_68 : memref<80xi32, #tpu.memory_space<vmem>>) target_semaphore(%run_scoped3A_59 : memref<!tpu.dma_semaphore, #tpu.memory_space<semaphore_mem>>)
        %dma_wait3A_72 = arith.constant 0 : i32
        %dma_wait3A_73 = tpu.memref_slice %arg8[%run_scoped3A, %dma_wait3A_72] : memref<1x80xi32, #tpu.memory_space<vmem>> -> memref<1x80xi32, #tpu.memory_space<vmem>>
        %dma_wait3A_74 = tpu.memref_squeeze %dma_wait3A_73 : memref<1x80xi32, #tpu.memory_space<vmem>> -> memref<80xi32, #tpu.memory_space<vmem>>
        %dma_wait3A_75 = arith.constant 0 : i32
        %dma_wait3A_76 = tpu.memref_slice %arg3[%add3A, %scan3A_22, %dma_wait3A_75] : memref<32x125x80xi32, #tpu.memory_space<hbm>> -> memref<1x1x80xi32, #tpu.memory_space<hbm>>
        %dma_wait3A_77 = tpu.memref_squeeze %dma_wait3A_76 : memref<1x1x80xi32, #tpu.memory_space<hbm>> -> memref<80xi32, #tpu.memory_space<hbm>>
        %dma_wait3A_78 = arith.constant 0 : i32
        %dma_wait3A_79 = tpu.memref_slice %arg8[%run_scoped3A, %dma_wait3A_78] : memref<1x80xi32, #tpu.memory_space<vmem>> -> memref<1x80xi32, #tpu.memory_space<vmem>>
        %dma_wait3A_80 = tpu.memref_squeeze %dma_wait3A_79 : memref<1x80xi32, #tpu.memory_space<vmem>> -> memref<80xi32, #tpu.memory_space<vmem>>
        %dma_wait3A_81 = arith.constant 0 : i32
        %dma_wait3A_82 = tpu.memref_slice %arg3[%add3A, %scan3A_22, %dma_wait3A_81] : memref<32x125x80xi32, #tpu.memory_space<hbm>> -> memref<1x1x80xi32, #tpu.memory_space<hbm>>
        %dma_wait3A_83 = tpu.memref_squeeze %dma_wait3A_82 : memref<1x1x80xi32, #tpu.memory_space<hbm>> -> memref<80xi32, #tpu.memory_space<hbm>>
        tpu.wait_dma2 semaphore(%run_scoped3A_59 : memref<!tpu.dma_semaphore, #tpu.memory_space<semaphore_mem>>) src(%dma_wait3A_83 : memref<80xi32, #tpu.memory_space<hbm>>) dst(%dma_wait3A_80 : memref<80xi32, #tpu.memory_space<vmem>>)
        tpu.yield
      }) : () -> ()
      %run_scoped3A_23 = arith.constant 0 : i32
      "tpu.region"() ({
        %run_scoped3A_59 = tpu.sem_alloc : memref<!tpu.dma_semaphore, #tpu.memory_space<semaphore_mem>>
        %dma_start3A_60 = arith.constant 0 : i32
        %dma_start3A_61 = tpu.memref_slice %arg9[%run_scoped3A_23, %dma_start3A_60] : memref<1x80xi32, #tpu.memory_space<vmem>> -> memref<1x80xi32, #tpu.memory_space<vmem>>
        %dma_start3A_62 = tpu.memref_squeeze %dma_start3A_61 : memref<1x80xi32, #tpu.memory_space<vmem>> -> memref<80xi32, #tpu.memory_space<vmem>>
        %dma_start3A_63 = arith.constant 0 : i32
        %dma_start3A_64 = tpu.memref_slice %arg4[%add3A, %scan3A_22, %dma_start3A_63] : memref<32x125x80xi32, #tpu.memory_space<hbm>> -> memref<1x1x80xi32, #tpu.memory_space<hbm>>
        %dma_start3A_65 = tpu.memref_squeeze %dma_start3A_64 : memref<1x1x80xi32, #tpu.memory_space<hbm>> -> memref<80xi32, #tpu.memory_space<hbm>>
        %dma_start3A_66 = arith.constant 0 : i32
        %dma_start3A_67 = tpu.memref_slice %arg9[%run_scoped3A_23, %dma_start3A_66] : memref<1x80xi32, #tpu.memory_space<vmem>> -> memref<1x80xi32, #tpu.memory_space<vmem>>
        %dma_start3A_68 = tpu.memref_squeeze %dma_start3A_67 : memref<1x80xi32, #tpu.memory_space<vmem>> -> memref<80xi32, #tpu.memory_space<vmem>>
        %dma_start3A_69 = arith.constant 0 : i32
        %dma_start3A_70 = tpu.memref_slice %arg4[%add3A, %scan3A_22, %dma_start3A_69] : memref<32x125x80xi32, #tpu.memory_space<hbm>> -> memref<1x1x80xi32, #tpu.memory_space<hbm>>
        %dma_start3A_71 = tpu.memref_squeeze %dma_start3A_70 : memref<1x1x80xi32, #tpu.memory_space<hbm>> -> memref<80xi32, #tpu.memory_space<hbm>>
        tpu.enqueue_dma source(%dma_start3A_71 : memref<80xi32, #tpu.memory_space<hbm>>) target(%dma_start3A_68 : memref<80xi32, #tpu.memory_space<vmem>>) target_semaphore(%run_scoped3A_59 : memref<!tpu.dma_semaphore, #tpu.memory_space<semaphore_mem>>)
        %dma_wait3A_72 = arith.constant 0 : i32
        %dma_wait3A_73 = tpu.memref_slice %arg9[%run_scoped3A_23, %dma_wait3A_72] : memref<1x80xi32, #tpu.memory_space<vmem>> -> memref<1x80xi32, #tpu.memory_space<vmem>>
        %dma_wait3A_74 = tpu.memref_squeeze %dma_wait3A_73 : memref<1x80xi32, #tpu.memory_space<vmem>> -> memref<80xi32, #tpu.memory_space<vmem>>
        %dma_wait3A_75 = arith.constant 0 : i32
        %dma_wait3A_76 = tpu.memref_slice %arg4[%add3A, %scan3A_22, %dma_wait3A_75] : memref<32x125x80xi32, #tpu.memory_space<hbm>> -> memref<1x1x80xi32, #tpu.memory_space<hbm>>
        %dma_wait3A_77 = tpu.memref_squeeze %dma_wait3A_76 : memref<1x1x80xi32, #tpu.memory_space<hbm>> -> memref<80xi32, #tpu.memory_space<hbm>>
        %dma_wait3A_78 = arith.constant 0 : i32
        %dma_wait3A_79 = tpu.memref_slice %arg9[%run_scoped3A_23, %dma_wait3A_78] : memref<1x80xi32, #tpu.memory_space<vmem>> -> memref<1x80xi32, #tpu.memory_space<vmem>>
        %dma_wait3A_80 = tpu.memref_squeeze %dma_wait3A_79 : memref<1x80xi32, #tpu.memory_space<vmem>> -> memref<80xi32, #tpu.memory_space<vmem>>
        %dma_wait3A_81 = arith.constant 0 : i32
        %dma_wait3A_82 = tpu.memref_slice %arg4[%add3A, %scan3A_22, %dma_wait3A_81] : memref<32x125x80xi32, #tpu.memory_space<hbm>> -> memref<1x1x80xi32, #tpu.memory_space<hbm>>
        %dma_wait3A_83 = tpu.memref_squeeze %dma_wait3A_82 : memref<1x1x80xi32, #tpu.memory_space<hbm>> -> memref<80xi32, #tpu.memory_space<hbm>>
        tpu.wait_dma2 semaphore(%run_scoped3A_59 : memref<!tpu.dma_semaphore, #tpu.memory_space<semaphore_mem>>) src(%dma_wait3A_83 : memref<80xi32, #tpu.memory_space<hbm>>) dst(%dma_wait3A_80 : memref<80xi32, #tpu.memory_space<vmem>>)
        tpu.yield
      }) : () -> ()
      %dma_start3A = arith.constant 0 : i32
      %dma_start3A_24 = arith.constant 0 : i32
      %dma_start3A_25 = tpu.memref_slice %arg8[%dma_start3A, %dma_start3A_24] : memref<1x80xi32, #tpu.memory_space<vmem>> -> memref<1x80xi32, #tpu.memory_space<vmem>>
      %dma_start3A_26 = tpu.memref_squeeze %dma_start3A_25 : memref<1x80xi32, #tpu.memory_space<vmem>> -> memref<80xi32, #tpu.memory_space<vmem>>
      %dma_start3A_27 = arith.constant 0 : i32
      %dma_start3A_28 = arith.constant 0 : i32
      %dma_start3A_29 = tpu.memref_slice %arg2[%dma_start3A_27, %dma_start3A_28] : memref<10000x128xf32, #tpu.memory_space<hbm>> -> memref<10000x128xf32, #tpu.memory_space<hbm>>
      tpu.enqueue_indirect_dma source(%dma_start3A_29 : memref<10000x128xf32, #tpu.memory_space<hbm>>) target(%arg10 : memref<80x128xf32, #tpu.memory_space<vmem>>) offsets(%dma_start3A_26 : memref<80xi32, #tpu.memory_space<vmem>>) semaphore(%arg13 : memref<!tpu.dma_semaphore, #tpu.memory_space<semaphore_mem>>)
      %dma_start3A_30 = arith.constant 0 : i32
      %dma_start3A_31 = arith.constant 0 : i32
      %dma_start3A_32 = tpu.memref_slice %arg5[%add3A, %scan3A_22, %dma_start3A_30, %dma_start3A_31] : memref<32x125x80x128xf32, #tpu.memory_space<hbm>> -> memref<1x1x80x128xf32, #tpu.memory_space<hbm>>
      %dma_start3A_33 = tpu.memref_squeeze %dma_start3A_32 : memref<1x1x80x128xf32, #tpu.memory_space<hbm>> -> memref<80x128xf32, #tpu.memory_space<hbm>>
      %dma_start3A_34 = arith.constant 0 : i32
      %dma_start3A_35 = arith.constant 0 : i32
      %dma_start3A_36 = tpu.memref_slice %arg5[%add3A, %scan3A_22, %dma_start3A_34, %dma_start3A_35] : memref<32x125x80x128xf32, #tpu.memory_space<hbm>> -> memref<1x1x80x128xf32, #tpu.memory_space<hbm>>
      %dma_start3A_37 = tpu.memref_squeeze %dma_start3A_36 : memref<1x1x80x128xf32, #tpu.memory_space<hbm>> -> memref<80x128xf32, #tpu.memory_space<hbm>>
      tpu.enqueue_dma source(%dma_start3A_37 : memref<80x128xf32, #tpu.memory_space<hbm>>) target(%arg11 : memref<80x128xf32, #tpu.memory_space<vmem>>) target_semaphore(%arg14 : memref<!tpu.dma_semaphore, #tpu.memory_space<semaphore_mem>>)
      %dma_wait3A = arith.constant 0 : i32
      %dma_wait3A_38 = arith.constant 0 : i32
      %dma_wait3A_39 = tpu.memref_slice %arg8[%dma_wait3A, %dma_wait3A_38] : memref<1x80xi32, #tpu.memory_space<vmem>> -> memref<1x80xi32, #tpu.memory_space<vmem>>
      %dma_wait3A_40 = tpu.memref_squeeze %dma_wait3A_39 : memref<1x80xi32, #tpu.memory_space<vmem>> -> memref<80xi32, #tpu.memory_space<vmem>>
      %dma_wait3A_41 = arith.constant 0 : i32
      %dma_wait3A_42 = arith.constant 0 : i32
      %dma_wait3A_43 = tpu.memref_slice %arg2[%dma_wait3A_41, %dma_wait3A_42] : memref<10000x128xf32, #tpu.memory_space<hbm>> -> memref<10000x128xf32, #tpu.memory_space<hbm>>
      tpu.wait_indirect_dma semaphore(%arg13 : memref<!tpu.dma_semaphore, #tpu.memory_space<semaphore_mem>>) src(%dma_wait3A_43 : memref<10000x128xf32, #tpu.memory_space<hbm>>) dst(%arg10 : memref<80x128xf32, #tpu.memory_space<vmem>>)
      %dma_wait3A_44 = arith.constant 0 : i32
      %dma_wait3A_45 = arith.constant 0 : i32
      %dma_wait3A_46 = tpu.memref_slice %arg5[%add3A, %scan3A_22, %dma_wait3A_44, %dma_wait3A_45] : memref<32x125x80x128xf32, #tpu.memory_space<hbm>> -> memref<1x1x80x128xf32, #tpu.memory_space<hbm>>
      %dma_wait3A_47 = tpu.memref_squeeze %dma_wait3A_46 : memref<1x1x80x128xf32, #tpu.memory_space<hbm>> -> memref<80x128xf32, #tpu.memory_space<hbm>>
      %dma_wait3A_48 = arith.constant 0 : i32
      %dma_wait3A_49 = arith.constant 0 : i32
      %dma_wait3A_50 = tpu.memref_slice %arg5[%add3A, %scan3A_22, %dma_wait3A_48, %dma_wait3A_49] : memref<32x125x80x128xf32, #tpu.memory_space<hbm>> -> memref<1x1x80x128xf32, #tpu.memory_space<hbm>>
      %dma_wait3A_51 = tpu.memref_squeeze %dma_wait3A_50 : memref<1x1x80x128xf32, #tpu.memory_space<hbm>> -> memref<80x128xf32, #tpu.memory_space<hbm>>
      tpu.wait_dma2 semaphore(%arg14 : memref<!tpu.dma_semaphore, #tpu.memory_space<semaphore_mem>>) src(%dma_wait3A_51 : memref<80x128xf32, #tpu.memory_space<hbm>>) dst(%arg11 : memref<80x128xf32, #tpu.memory_space<vmem>>)
      %scan3A_52 = arith.constant 0 : i32
      %scan3A_53 = arith.constant 0 : i32
      %scan3A_54 = arith.constant 80 : i32
      %scan3A_55 = arith.addi %scan3A_53, %scan3A_54 : i32
      %scan3A_56 = arith.constant 1 : i32
      scf.for %scan3A_59 = %scan3A_53 to %scan3A_55 step %scan3A_56  : i32 {
        %get3A = arith.index_cast %scan3A_59 : i32 to index
        %get3A_60 = arith.constant 0 : index
        %get3A_61 = tpu.vector_load %arg10[%get3A, %get3A_60] {strides = array<i32>} : memref<80x128xf32, #tpu.memory_space<vmem>>, vector<1x16xf32>,
        %get3A_62 = vector.shape_cast %get3A_61 : vector<1x16xf32> to vector<16xf32>
        %get3A_63 = arith.index_cast %scan3A_59 : i32 to index
        %get3A_64 = arith.constant 0 : index
        %get3A_65 = tpu.vector_load %arg11[%get3A_63, %get3A_64] {strides = array<i32>} : memref<80x128xf32, #tpu.memory_space<vmem>>, vector<1x16xf32>,
        %get3A_66 = vector.shape_cast %get3A_65 : vector<1x16xf32> to vector<16xf32>
        %add3A_67 = arith.addf %get3A_62, %get3A_66 : vector<16xf32>
        %max3A = arith.constant 0.000000e+00 : f32
        %max3A_68 = vector.broadcast %max3A : f32 to vector<16xf32>
        %max3A_69 = arith.maximumf %add3A_67, %max3A_68 : vector<16xf32>
        %swap3A = arith.index_cast %scan3A_59 : i32 to index
        %swap3A_70 = arith.constant 0 : index
        %swap3A_71 = tpu.vector_load %arg10[%swap3A, %swap3A_70] {strides = array<i32>} : memref<80x128xf32, #tpu.memory_space<vmem>>, vector<1x16xf32>,
        %swap3A_72 = vector.shape_cast %swap3A_71 : vector<1x16xf32> to vector<16xf32>
        %swap3A_73 = vector.shape_cast %max3A_69 : vector<16xf32> to vector<1x16xf32>
        tpu.vector_store %arg10[%swap3A, %swap3A_70], %swap3A_73 {strides = array<i32>} : memref<80x128xf32, #tpu.memory_space<vmem>>, vector<1x16xf32>,
        %get3A_74 = arith.index_cast %scan3A_59 : i32 to index
        %get3A_75 = arith.constant 16 : index
        %get3A_76 = tpu.vector_load %arg10[%get3A_74, %get3A_75] {strides = array<i32>} : memref<80x128xf32, #tpu.memory_space<vmem>>, vector<1x16xf32>,
        %get3A_77 = vector.shape_cast %get3A_76 : vector<1x16xf32> to vector<16xf32>
        %get3A_78 = arith.index_cast %scan3A_59 : i32 to index
        %get3A_79 = arith.constant 16 : index
        %get3A_80 = tpu.vector_load %arg11[%get3A_78, %get3A_79] {strides = array<i32>} : memref<80x128xf32, #tpu.memory_space<vmem>>, vector<1x16xf32>,
        %get3A_81 = vector.shape_cast %get3A_80 : vector<1x16xf32> to vector<16xf32>
        %add3A_82 = arith.addf %get3A_77, %get3A_81 : vector<16xf32>
        %max3A_83 = arith.constant 0.000000e+00 : f32
        %max3A_84 = vector.broadcast %max3A_83 : f32 to vector<16xf32>
        %max3A_85 = arith.maximumf %add3A_82, %max3A_84 : vector<16xf32>
        %swap3A_86 = arith.index_cast %scan3A_59 : i32 to index
        %swap3A_87 = arith.constant 16 : index
        %swap3A_88 = tpu.vector_load %arg10[%swap3A_86, %swap3A_87] {strides = array<i32>} : memref<80x128xf32, #tpu.memory_space<vmem>>, vector<1x16xf32>,
        %swap3A_89 = vector.shape_cast %swap3A_88 : vector<1x16xf32> to vector<16xf32>
        %swap3A_90 = vector.shape_cast %max3A_85 : vector<16xf32> to vector<1x16xf32>
        tpu.vector_store %arg10[%swap3A_86, %swap3A_87], %swap3A_90 {strides = array<i32>} : memref<80x128xf32, #tpu.memory_space<vmem>>, vector<1x16xf32>,
        %get3A_91 = arith.index_cast %scan3A_59 : i32 to index
        %get3A_92 = arith.constant 32 : index
        %get3A_93 = tpu.vector_load %arg10[%get3A_91, %get3A_92] {strides = array<i32>} : memref<80x128xf32, #tpu.memory_space<vmem>>, vector<1x16xf32>,
        %get3A_94 = vector.shape_cast %get3A_93 : vector<1x16xf32> to vector<16xf32>
        %get3A_95 = arith.index_cast %scan3A_59 : i32 to index
        %get3A_96 = arith.constant 32 : index
        %get3A_97 = tpu.vector_load %arg11[%get3A_95, %get3A_96] {strides = array<i32>} : memref<80x128xf32, #tpu.memory_space<vmem>>, vector<1x16xf32>,
        %get3A_98 = vector.shape_cast %get3A_97 : vector<1x16xf32> to vector<16xf32>
        %add3A_99 = arith.addf %get3A_94, %get3A_98 : vector<16xf32>
        %max3A_100 = arith.constant 0.000000e+00 : f32
        %max3A_101 = vector.broadcast %max3A_100 : f32 to vector<16xf32>
        %max3A_102 = arith.maximumf %add3A_99, %max3A_101 : vector<16xf32>
        %swap3A_103 = arith.index_cast %scan3A_59 : i32 to index
        %swap3A_104 = arith.constant 32 : index
        %swap3A_105 = tpu.vector_load %arg10[%swap3A_103, %swap3A_104] {strides = array<i32>} : memref<80x128xf32, #tpu.memory_space<vmem>>, vector<1x16xf32>,
        %swap3A_106 = vector.shape_cast %swap3A_105 : vector<1x16xf32> to vector<16xf32>
        %swap3A_107 = vector.shape_cast %max3A_102 : vector<16xf32> to vector<1x16xf32>
        tpu.vector_store %arg10[%swap3A_103, %swap3A_104], %swap3A_107 {strides = array<i32>} : memref<80x128xf32, #tpu.memory_space<vmem>>, vector<1x16xf32>,
        %get3A_108 = arith.index_cast %scan3A_59 : i32 to index
        %get3A_109 = arith.constant 48 : index
        %get3A_110 = tpu.vector_load %arg10[%get3A_108, %get3A_109] {strides = array<i32>} : memref<80x128xf32, #tpu.memory_space<vmem>>, vector<1x16xf32>,
        %get3A_111 = vector.shape_cast %get3A_110 : vector<1x16xf32> to vector<16xf32>
        %get3A_112 = arith.index_cast %scan3A_59 : i32 to index
        %get3A_113 = arith.constant 48 : index
        %get3A_114 = tpu.vector_load %arg11[%get3A_112, %get3A_113] {strides = array<i32>} : memref<80x128xf32, #tpu.memory_space<vmem>>, vector<1x16xf32>,
        %get3A_115 = vector.shape_cast %get3A_114 : vector<1x16xf32> to vector<16xf32>
        %add3A_116 = arith.addf %get3A_111, %get3A_115 : vector<16xf32>
        %max3A_117 = arith.constant 0.000000e+00 : f32
        %max3A_118 = vector.broadcast %max3A_117 : f32 to vector<16xf32>
        %max3A_119 = arith.maximumf %add3A_116, %max3A_118 : vector<16xf32>
        %swap3A_120 = arith.index_cast %scan3A_59 : i32 to index
        %swap3A_121 = arith.constant 48 : index
        %swap3A_122 = tpu.vector_load %arg10[%swap3A_120, %swap3A_121] {strides = array<i32>} : memref<80x128xf32, #tpu.memory_space<vmem>>, vector<1x16xf32>,
        %swap3A_123 = vector.shape_cast %swap3A_122 : vector<1x16xf32> to vector<16xf32>
        %swap3A_124 = vector.shape_cast %max3A_119 : vector<16xf32> to vector<1x16xf32>
        tpu.vector_store %arg10[%swap3A_120, %swap3A_121], %swap3A_124 {strides = array<i32>} : memref<80x128xf32, #tpu.memory_space<vmem>>, vector<1x16xf32>,
        %get3A_125 = arith.index_cast %scan3A_59 : i32 to index
        %get3A_126 = arith.constant 64 : index
        %get3A_127 = tpu.vector_load %arg10[%get3A_125, %get3A_126] {strides = array<i32>} : memref<80x128xf32, #tpu.memory_space<vmem>>, vector<1x16xf32>,
        %get3A_128 = vector.shape_cast %get3A_127 : vector<1x16xf32> to vector<16xf32>
        %get3A_129 = arith.index_cast %scan3A_59 : i32 to index
        %get3A_130 = arith.constant 64 : index
        %get3A_131 = tpu.vector_load %arg11[%get3A_129, %get3A_130] {strides = array<i32>} : memref<80x128xf32, #tpu.memory_space<vmem>>, vector<1x16xf32>,
        %get3A_132 = vector.shape_cast %get3A_131 : vector<1x16xf32> to vector<16xf32>
        %add3A_133 = arith.addf %get3A_128, %get3A_132 : vector<16xf32>
        %max3A_134 = arith.constant 0.000000e+00 : f32
        %max3A_135 = vector.broadcast %max3A_134 : f32 to vector<16xf32>
        %max3A_136 = arith.maximumf %add3A_133, %max3A_135 : vector<16xf32>
        %swap3A_137 = arith.index_cast %scan3A_59 : i32 to index
        %swap3A_138 = arith.constant 64 : index
        %swap3A_139 = tpu.vector_load %arg10[%swap3A_137, %swap3A_138] {strides = array<i32>} : memref<80x128xf32, #tpu.memory_space<vmem>>, vector<1x16xf32>,
        %swap3A_140 = vector.shape_cast %swap3A_139 : vector<1x16xf32> to vector<16xf32>
        %swap3A_141 = vector.shape_cast %max3A_136 : vector<16xf32> to vector<1x16xf32>
        tpu.vector_store %arg10[%swap3A_137, %swap3A_138], %swap3A_141 {strides = array<i32>} : memref<80x128xf32, #tpu.memory_space<vmem>>, vector<1x16xf32>,
        %get3A_142 = arith.index_cast %scan3A_59 : i32 to index
        %get3A_143 = arith.constant 80 : index
        %get3A_144 = tpu.vector_load %arg10[%get3A_142, %get3A_143] {strides = array<i32>} : memref<80x128xf32, #tpu.memory_space<vmem>>, vector<1x16xf32>,
        %get3A_145 = vector.shape_cast %get3A_144 : vector<1x16xf32> to vector<16xf32>
        %get3A_146 = arith.index_cast %scan3A_59 : i32 to index
        %get3A_147 = arith.constant 80 : index
        %get3A_148 = tpu.vector_load %arg11[%get3A_146, %get3A_147] {strides = array<i32>} : memref<80x128xf32, #tpu.memory_space<vmem>>, vector<1x16xf32>,
        %get3A_149 = vector.shape_cast %get3A_148 : vector<1x16xf32> to vector<16xf32>
        %add3A_150 = arith.addf %get3A_145, %get3A_149 : vector<16xf32>
        %max3A_151 = arith.constant 0.000000e+00 : f32
        %max3A_152 = vector.broadcast %max3A_151 : f32 to vector<16xf32>
        %max3A_153 = arith.maximumf %add3A_150, %max3A_152 : vector<16xf32>
        %swap3A_154 = arith.index_cast %scan3A_59 : i32 to index
        %swap3A_155 = arith.constant 80 : index
        %swap3A_156 = tpu.vector_load %arg10[%swap3A_154, %swap3A_155] {strides = array<i32>} : memref<80x128xf32, #tpu.memory_space<vmem>>, vector<1x16xf32>,
        %swap3A_157 = vector.shape_cast %swap3A_156 : vector<1x16xf32> to vector<16xf32>
        %swap3A_158 = vector.shape_cast %max3A_153 : vector<16xf32> to vector<1x16xf32>
        tpu.vector_store %arg10[%swap3A_154, %swap3A_155], %swap3A_158 {strides = array<i32>} : memref<80x128xf32, #tpu.memory_space<vmem>>, vector<1x16xf32>,
        %get3A_159 = arith.index_cast %scan3A_59 : i32 to index
        %get3A_160 = arith.constant 96 : index
        %get3A_161 = tpu.vector_load %arg10[%get3A_159, %get3A_160] {strides = array<i32>} : memref<80x128xf32, #tpu.memory_space<vmem>>, vector<1x16xf32>,
        %get3A_162 = vector.shape_cast %get3A_161 : vector<1x16xf32> to vector<16xf32>
        %get3A_163 = arith.index_cast %scan3A_59 : i32 to index
        %get3A_164 = arith.constant 96 : index
        %get3A_165 = tpu.vector_load %arg11[%get3A_163, %get3A_164] {strides = array<i32>} : memref<80x128xf32, #tpu.memory_space<vmem>>, vector<1x16xf32>,
        %get3A_166 = vector.shape_cast %get3A_165 : vector<1x16xf32> to vector<16xf32>
        %add3A_167 = arith.addf %get3A_162, %get3A_166 : vector<16xf32>
        %max3A_168 = arith.constant 0.000000e+00 : f32
        %max3A_169 = vector.broadcast %max3A_168 : f32 to vector<16xf32>
        %max3A_170 = arith.maximumf %add3A_167, %max3A_169 : vector<16xf32>
        %swap3A_171 = arith.index_cast %scan3A_59 : i32 to index
        %swap3A_172 = arith.constant 96 : index
        %swap3A_173 = tpu.vector_load %arg10[%swap3A_171, %swap3A_172] {strides = array<i32>} : memref<80x128xf32, #tpu.memory_space<vmem>>, vector<1x16xf32>,
        %swap3A_174 = vector.shape_cast %swap3A_173 : vector<1x16xf32> to vector<16xf32>
        %swap3A_175 = vector.shape_cast %max3A_170 : vector<16xf32> to vector<1x16xf32>
        tpu.vector_store %arg10[%swap3A_171, %swap3A_172], %swap3A_175 {strides = array<i32>} : memref<80x128xf32, #tpu.memory_space<vmem>>, vector<1x16xf32>,
        %get3A_176 = arith.index_cast %scan3A_59 : i32 to index
        %get3A_177 = arith.constant 112 : index
        %get3A_178 = tpu.vector_load %arg10[%get3A_176, %get3A_177] {strides = array<i32>} : memref<80x128xf32, #tpu.memory_space<vmem>>, vector<1x16xf32>,
        %get3A_179 = vector.shape_cast %get3A_178 : vector<1x16xf32> to vector<16xf32>
        %get3A_180 = arith.index_cast %scan3A_59 : i32 to index
        %get3A_181 = arith.constant 112 : index
        %get3A_182 = tpu.vector_load %arg11[%get3A_180, %get3A_181] {strides = array<i32>} : memref<80x128xf32, #tpu.memory_space<vmem>>, vector<1x16xf32>,
        %get3A_183 = vector.shape_cast %get3A_182 : vector<1x16xf32> to vector<16xf32>
        %add3A_184 = arith.addf %get3A_179, %get3A_183 : vector<16xf32>
        %max3A_185 = arith.constant 0.000000e+00 : f32
        %max3A_186 = vector.broadcast %max3A_185 : f32 to vector<16xf32>
        %max3A_187 = arith.maximumf %add3A_184, %max3A_186 : vector<16xf32>
        %swap3A_188 = arith.index_cast %scan3A_59 : i32 to index
        %swap3A_189 = arith.constant 112 : index
        %swap3A_190 = tpu.vector_load %arg10[%swap3A_188, %swap3A_189] {strides = array<i32>} : memref<80x128xf32, #tpu.memory_space<vmem>>, vector<1x16xf32>,
        %swap3A_191 = vector.shape_cast %swap3A_190 : vector<1x16xf32> to vector<16xf32>
        %swap3A_192 = vector.shape_cast %max3A_187 : vector<16xf32> to vector<1x16xf32>
        tpu.vector_store %arg10[%swap3A_188, %swap3A_189], %swap3A_192 {strides = array<i32>} : memref<80x128xf32, #tpu.memory_space<vmem>>, vector<1x16xf32>,
      }
      %scan3A_57 = arith.constant 80 : i32
      %run_scoped3A_58 = arith.constant 0 : i32
      "tpu.region"() ({
        %run_scoped3A_59 = tpu.sem_alloc : memref<!tpu.dma_semaphore, #tpu.memory_space<semaphore_mem>>
        %dma_start3A_60 = arith.constant 0 : i32
        %dma_start3A_61 = tpu.memref_slice %arg9[%run_scoped3A_58, %dma_start3A_60] : memref<1x80xi32, #tpu.memory_space<vmem>> -> memref<1x80xi32, #tpu.memory_space<vmem>>
        %dma_start3A_62 = tpu.memref_squeeze %dma_start3A_61 : memref<1x80xi32, #tpu.memory_space<vmem>> -> memref<80xi32, #tpu.memory_space<vmem>>
        %dma_start3A_63 = arith.constant 0 : i32
        %dma_start3A_64 = arith.constant 0 : i32
        %dma_start3A_65 = tpu.memref_slice %arg12[%dma_start3A_63, %dma_start3A_64] : memref<10000x128xf32, #tpu.memory_space<vmem_shared>> -> memref<10000x128xf32, #tpu.memory_space<vmem_shared>>
        tpu.enqueue_indirect_dma source(%arg10 : memref<80x128xf32, #tpu.memory_space<vmem>>) target(%dma_start3A_65 : memref<10000x128xf32, #tpu.memory_space<vmem_shared>>) offsets(%dma_start3A_62 : memref<80xi32, #tpu.memory_space<vmem>>) semaphore(%run_scoped3A_59 : memref<!tpu.dma_semaphore, #tpu.memory_space<semaphore_mem>>) {add = true}
        %dma_wait3A_66 = arith.constant 0 : i32
        %dma_wait3A_67 = tpu.memref_slice %arg9[%run_scoped3A_58, %dma_wait3A_66] : memref<1x80xi32, #tpu.memory_space<vmem>> -> memref<1x80xi32, #tpu.memory_space<vmem>>
        %dma_wait3A_68 = tpu.memref_squeeze %dma_wait3A_67 : memref<1x80xi32, #tpu.memory_space<vmem>> -> memref<80xi32, #tpu.memory_space<vmem>>
        %dma_wait3A_69 = arith.constant 0 : i32
        %dma_wait3A_70 = arith.constant 0 : i32
        %dma_wait3A_71 = tpu.memref_slice %arg12[%dma_wait3A_69, %dma_wait3A_70] : memref<10000x128xf32, #tpu.memory_space<vmem_shared>> -> memref<10000x128xf32, #tpu.memory_space<vmem_shared>>
        tpu.wait_indirect_dma semaphore(%run_scoped3A_59 : memref<!tpu.dma_semaphore, #tpu.memory_space<semaphore_mem>>) src(%arg10 : memref<80x128xf32, #tpu.memory_space<vmem>>) dst(%dma_wait3A_71 : memref<10000x128xf32, #tpu.memory_space<vmem_shared>>)
        tpu.yield
      }) : () -> ()
    }
    %scan3A_11 = arith.constant 125 : i32
    %barrier3A_12 = arith.constant 0 : index
    tpu.barrier barrier_id(%barrier3A_12)
    %mul3A_13 = arith.constant 624 : i32
    %mul3A_14 = arith.muli %arg1, %mul3A_13 : i32
    %mul3A_15 = arith.constant 624 : i32
    %mul3A_16 = arith.muli %arg1, %mul3A_15 : i32
    "tpu.region"() ({
      %run_scoped3A = tpu.sem_alloc : memref<!tpu.dma_semaphore, #tpu.memory_space<semaphore_mem>>
      %dma_start3A = arith.constant 0 : i32
      %dma_start3A_22 = tpu.memref_slice %arg7[%arg0, %mul3A_16, %dma_start3A] : memref<2x10000x128xf32, #tpu.memory_space<hbm>> -> memref<1x624x128xf32, #tpu.memory_space<hbm>>
      %dma_start3A_23 = tpu.memref_squeeze %dma_start3A_22 : memref<1x624x128xf32, #tpu.memory_space<hbm>> -> memref<624x128xf32, #tpu.memory_space<hbm>>
      %dma_start3A_24 = arith.constant 0 : i32
      %dma_start3A_25 = tpu.memref_slice %arg12[%mul3A_14, %dma_start3A_24] : memref<10000x128xf32, #tpu.memory_space<vmem_shared>> -> memref<624x128xf32, #tpu.memory_space<vmem_shared>>
      tpu.enqueue_dma source(%dma_start3A_25 : memref<624x128xf32, #tpu.memory_space<vmem_shared>>) target(%dma_start3A_23 : memref<624x128xf32, #tpu.memory_space<hbm>>) target_semaphore(%run_scoped3A : memref<!tpu.dma_semaphore, #tpu.memory_space<semaphore_mem>>)
      %dma_wait3A = arith.constant 0 : i32
      %dma_wait3A_26 = tpu.memref_slice %arg7[%arg0, %mul3A_16, %dma_wait3A] : memref<2x10000x128xf32, #tpu.memory_space<hbm>> -> memref<1x624x128xf32, #tpu.memory_space<hbm>>
      %dma_wait3A_27 = tpu.memref_squeeze %dma_wait3A_26 : memref<1x624x128xf32, #tpu.memory_space<hbm>> -> memref<624x128xf32, #tpu.memory_space<hbm>>
      %dma_wait3A_28 = arith.constant 0 : i32
      %dma_wait3A_29 = tpu.memref_slice %arg12[%mul3A_14, %dma_wait3A_28] : memref<10000x128xf32, #tpu.memory_space<vmem_shared>> -> memref<624x128xf32, #tpu.memory_space<vmem_shared>>
      tpu.wait_dma2 semaphore(%run_scoped3A : memref<!tpu.dma_semaphore, #tpu.memory_space<semaphore_mem>>) src(%dma_wait3A_29 : memref<624x128xf32, #tpu.memory_space<vmem_shared>>) dst(%dma_wait3A_27 : memref<624x128xf32, #tpu.memory_space<hbm>>)
      tpu.yield
    }) : () -> ()
    %eq3A_17 = arith.constant 0 : i32
    %eq3A_18 = arith.cmpi eq, %arg1, %eq3A_17 : i32
    %convert_element_type3A_19 = arith.extui %eq3A_18 : i1 to i32
    %cond3A_20 = arith.constant 0 : i32
    %cond3A_21 = arith.cmpi ne, %convert_element_type3A_19, %cond3A_20 : i32
    scf.if %cond3A_21 {
      "tpu.region"() ({
        %run_scoped3A = tpu.sem_alloc : memref<!tpu.dma_semaphore, #tpu.memory_space<semaphore_mem>>
        %dma_start3A = arith.constant 9984 : i32
        %dma_start3A_22 = arith.constant 0 : i32
        %dma_start3A_23 = tpu.memref_slice %arg7[%arg0, %dma_start3A, %dma_start3A_22] : memref<2x10000x128xf32, #tpu.memory_space<hbm>> -> memref<1x16x128xf32, #tpu.memory_space<hbm>>
        %dma_start3A_24 = tpu.memref_squeeze %dma_start3A_23 : memref<1x16x128xf32, #tpu.memory_space<hbm>> -> memref<16x128xf32, #tpu.memory_space<hbm>>
        %dma_start3A_25 = arith.constant 9984 : i32
        %dma_start3A_26 = arith.constant 0 : i32
        %dma_start3A_27 = tpu.memref_slice %arg12[%dma_start3A_25, %dma_start3A_26] : memref<10000x128xf32, #tpu.memory_space<vmem_shared>> -> memref<16x128xf32, #tpu.memory_space<vmem_shared>>
        tpu.enqueue_dma source(%dma_start3A_27 : memref<16x128xf32, #tpu.memory_space<vmem_shared>>) target(%dma_start3A_24 : memref<16x128xf32, #tpu.memory_space<hbm>>) target_semaphore(%run_scoped3A : memref<!tpu.dma_semaphore, #tpu.memory_space<semaphore_mem>>)
        %dma_wait3A = arith.constant 9984 : i32
        %dma_wait3A_28 = arith.constant 0 : i32
        %dma_wait3A_29 = tpu.memref_slice %arg7[%arg0, %dma_wait3A, %dma_wait3A_28] : memref<2x10000x128xf32, #tpu.memory_space<hbm>> -> memref<1x16x128xf32, #tpu.memory_space<hbm>>
        %dma_wait3A_30 = tpu.memref_squeeze %dma_wait3A_29 : memref<1x16x128xf32, #tpu.memory_space<hbm>> -> memref<16x128xf32, #tpu.memory_space<hbm>>
        %dma_wait3A_31 = arith.constant 9984 : i32
        %dma_wait3A_32 = arith.constant 0 : i32
        %dma_wait3A_33 = tpu.memref_slice %arg12[%dma_wait3A_31, %dma_wait3A_32] : memref<10000x128xf32, #tpu.memory_space<vmem_shared>> -> memref<16x128xf32, #tpu.memory_space<vmem_shared>>
        tpu.wait_dma2 semaphore(%run_scoped3A : memref<!tpu.dma_semaphore, #tpu.memory_space<semaphore_mem>>) src(%dma_wait3A_33 : memref<16x128xf32, #tpu.memory_space<vmem_shared>>) dst(%dma_wait3A_30 : memref<16x128xf32, #tpu.memory_space<hbm>>)
        tpu.yield
      }) : () -> ()
    } else {
    }
    return
  }
}

#map = affine_map<(d0, d1) -> (0, 0)>
#map1 = affine_map<(d0, d1) -> (0, 0, 0)>
#map2 = affine_map<(d0, d1) -> (0, 0, 0, 0)>
module attributes {stable_mosaic.version = 14 : i64} {
  func.func @sc_agg(%arg0: i32, %arg1: i32, %arg2: memref<10000x128xf32, #tpu.memory_space<hbm>>, %arg3: memref<32x125x80xi32, #tpu.memory_space<hbm>>, %arg4: memref<32x125x80xi32, #tpu.memory_space<hbm>>, %arg5: memref<32x125x80x128xf32, #tpu.memory_space<hbm>>, %arg6: memref<10000x128xf32, #tpu.memory_space<hbm>>, %arg7: memref<2x10000x128xf32, #tpu.memory_space<hbm>>, %arg8: memref<1x80xi32, #tpu.memory_space<vmem>>, %arg9: memref<1x80xi32, #tpu.memory_space<vmem>>, %arg10: memref<80x128xf32, #tpu.memory_space<vmem>>, %arg11: memref<80x128xf32, #tpu.memory_space<vmem>>, %arg12: memref<10000x128xf32, #tpu.memory_space<vmem_shared>>, %arg13: memref<!tpu.dma_semaphore, #tpu.memory_space<semaphore_mem>>, %arg14: memref<!tpu.dma_semaphore, #tpu.memory_space<semaphore_mem>>) attributes {dimension_semantics = [#tpu.dimension_semantics<core_parallel>, #tpu.dimension_semantics<subcore_parallel>], iteration_bounds = array<i64: 2, 16>, scalar_prefetch = 0 : i64, scratch_operands = 7 : i64, tpu.core_type = #tpu.core_type<sc_vector_subcore>, window_params = [{transform_indices = #map}, {transform_indices = #map1}, {transform_indices = #map1}, {transform_indices = #map2}, {transform_indices = #map}, {transform_indices = #map1}]} {
    %mul3A = arith.constant 16 : i32
    %mul3A_0 = arith.muli %arg0, %mul3A : i32
    %add3A = arith.addi %mul3A_0, %arg1 : i32
    %mul3A_1 = arith.constant 624 : i32
    %mul3A_2 = arith.muli %arg1, %mul3A_1 : i32
    %mul3A_3 = arith.constant 624 : i32
    %mul3A_4 = arith.muli %arg1, %mul3A_3 : i32
    "tpu.region"() ({
      %run_scoped3A = tpu.sem_alloc : memref<!tpu.dma_semaphore, #tpu.memory_space<semaphore_mem>>
      %dma_start3A = arith.constant 0 : i32
      %dma_start3A_22 = tpu.memref_slice %arg12[%mul3A_4, %dma_start3A] : memref<10000x128xf32, #tpu.memory_space<vmem_shared>> -> memref<624x128xf32, #tpu.memory_space<vmem_shared>>
      %dma_start3A_23 = arith.constant 0 : i32
      %dma_start3A_24 = tpu.memref_slice %arg6[%mul3A_2, %dma_start3A_23] : memref<10000x128xf32, #tpu.memory_space<hbm>> -> memref<624x128xf32, #tpu.memory_space<hbm>>
      tpu.enqueue_dma source(%dma_start3A_24 : memref<624x128xf32, #tpu.memory_space<hbm>>) target(%dma_start3A_22 : memref<624x128xf32, #tpu.memory_space<vmem_shared>>) target_semaphore(%run_scoped3A : memref<!tpu.dma_semaphore, #tpu.memory_space<semaphore_mem>>)
      %dma_wait3A = arith.constant 0 : i32
      %dma_wait3A_25 = tpu.memref_slice %arg12[%mul3A_4, %dma_wait3A] : memref<10000x128xf32, #tpu.memory_space<vmem_shared>> -> memref<624x128xf32, #tpu.memory_space<vmem_shared>>
      %dma_wait3A_26 = arith.constant 0 : i32
      %dma_wait3A_27 = tpu.memref_slice %arg6[%mul3A_2, %dma_wait3A_26] : memref<10000x128xf32, #tpu.memory_space<hbm>> -> memref<624x128xf32, #tpu.memory_space<hbm>>
      tpu.wait_dma2 semaphore(%run_scoped3A : memref<!tpu.dma_semaphore, #tpu.memory_space<semaphore_mem>>) src(%dma_wait3A_27 : memref<624x128xf32, #tpu.memory_space<hbm>>) dst(%dma_wait3A_25 : memref<624x128xf32, #tpu.memory_space<vmem_shared>>)
      tpu.yield
    }) : () -> ()
    %eq3A = arith.constant 0 : i32
    %eq3A_5 = arith.cmpi eq, %arg1, %eq3A : i32
    %convert_element_type3A = arith.extui %eq3A_5 : i1 to i32
    %cond3A = arith.constant 0 : i32
    %cond3A_6 = arith.cmpi ne, %convert_element_type3A, %cond3A : i32
    scf.if %cond3A_6 {
      "tpu.region"() ({
        %run_scoped3A = tpu.sem_alloc : memref<!tpu.dma_semaphore, #tpu.memory_space<semaphore_mem>>
        %dma_start3A = arith.constant 9984 : i32
        %dma_start3A_22 = arith.constant 0 : i32
        %dma_start3A_23 = tpu.memref_slice %arg12[%dma_start3A, %dma_start3A_22] : memref<10000x128xf32, #tpu.memory_space<vmem_shared>> -> memref<16x128xf32, #tpu.memory_space<vmem_shared>>
        %dma_start3A_24 = arith.constant 9984 : i32
        %dma_start3A_25 = arith.constant 0 : i32
        %dma_start3A_26 = tpu.memref_slice %arg6[%dma_start3A_24, %dma_start3A_25] : memref<10000x128xf32, #tpu.memory_space<hbm>> -> memref<16x128xf32, #tpu.memory_space<hbm>>
        tpu.enqueue_dma source(%dma_start3A_26 : memref<16x128xf32, #tpu.memory_space<hbm>>) target(%dma_start3A_23 : memref<16x128xf32, #tpu.memory_space<vmem_shared>>) target_semaphore(%run_scoped3A : memref<!tpu.dma_semaphore, #tpu.memory_space<semaphore_mem>>)
        %dma_wait3A = arith.constant 9984 : i32
        %dma_wait3A_27 = arith.constant 0 : i32
        %dma_wait3A_28 = tpu.memref_slice %arg12[%dma_wait3A, %dma_wait3A_27] : memref<10000x128xf32, #tpu.memory_space<vmem_shared>> -> memref<16x128xf32, #tpu.memory_space<vmem_shared>>
        %dma_wait3A_29 = arith.constant 9984 : i32
        %dma_wait3A_30 = arith.constant 0 : i32
        %dma_wait3A_31 = tpu.memref_slice %arg6[%dma_wait3A_29, %dma_wait3A_30] : memref<10000x128xf32, #tpu.memory_space<hbm>> -> memref<16x128xf32, #tpu.memory_space<hbm>>
        tpu.wait_dma2 semaphore(%run_scoped3A : memref<!tpu.dma_semaphore, #tpu.memory_space<semaphore_mem>>) src(%dma_wait3A_31 : memref<16x128xf32, #tpu.memory_space<hbm>>) dst(%dma_wait3A_28 : memref<16x128xf32, #tpu.memory_space<vmem_shared>>)
        tpu.yield
      }) : () -> ()
    } else {
    }
    %barrier3A = arith.constant 0 : index
    tpu.barrier barrier_id(%barrier3A)
    %scan3A = arith.constant 0 : i32
    %scan3A_7 = arith.constant 0 : i32
    %scan3A_8 = arith.constant 125 : i32
    %scan3A_9 = arith.addi %scan3A_7, %scan3A_8 : i32
    %scan3A_10 = arith.constant 1 : i32
    scf.for %scan3A_22 = %scan3A_7 to %scan3A_9 step %scan3A_10  : i32 {
      %run_scoped3A = arith.constant 0 : i32
      "tpu.region"() ({
        %run_scoped3A_59 = tpu.sem_alloc : memref<!tpu.dma_semaphore, #tpu.memory_space<semaphore_mem>>
        %dma_start3A_60 = arith.constant 0 : i32
        %dma_start3A_61 = tpu.memref_slice %arg8[%run_scoped3A, %dma_start3A_60] : memref<1x80xi32, #tpu.memory_space<vmem>> -> memref<1x80xi32, #tpu.memory_space<vmem>>
        %dma_start3A_62 = tpu.memref_squeeze %dma_start3A_61 : memref<1x80xi32, #tpu.memory_space<vmem>> -> memref<80xi32, #tpu.memory_space<vmem>>
        %dma_start3A_63 = arith.constant 0 : i32
        %dma_start3A_64 = tpu.memref_slice %arg3[%add3A, %scan3A_22, %dma_start3A_63] : memref<32x125x80xi32, #tpu.memory_space<hbm>> -> memref<1x1x80xi32, #tpu.memory_space<hbm>>
        %dma_start3A_65 = tpu.memref_squeeze %dma_start3A_64 : memref<1x1x80xi32, #tpu.memory_space<hbm>> -> memref<80xi32, #tpu.memory_space<hbm>>
        %dma_start3A_66 = arith.constant 0 : i32
        %dma_start3A_67 = tpu.memref_slice %arg8[%run_scoped3A, %dma_start3A_66] : memref<1x80xi32, #tpu.memory_space<vmem>> -> memref<1x80xi32, #tpu.memory_space<vmem>>
        %dma_start3A_68 = tpu.memref_squeeze %dma_start3A_67 : memref<1x80xi32, #tpu.memory_space<vmem>> -> memref<80xi32, #tpu.memory_space<vmem>>
        %dma_start3A_69 = arith.constant 0 : i32
        %dma_start3A_70 = tpu.memref_slice %arg3[%add3A, %scan3A_22, %dma_start3A_69] : memref<32x125x80xi32, #tpu.memory_space<hbm>> -> memref<1x1x80xi32, #tpu.memory_space<hbm>>
        %dma_start3A_71 = tpu.memref_squeeze %dma_start3A_70 : memref<1x1x80xi32, #tpu.memory_space<hbm>> -> memref<80xi32, #tpu.memory_space<hbm>>
        tpu.enqueue_dma source(%dma_start3A_71 : memref<80xi32, #tpu.memory_space<hbm>>) target(%dma_start3A_68 : memref<80xi32, #tpu.memory_space<vmem>>) target_semaphore(%run_scoped3A_59 : memref<!tpu.dma_semaphore, #tpu.memory_space<semaphore_mem>>)
        %dma_wait3A_72 = arith.constant 0 : i32
        %dma_wait3A_73 = tpu.memref_slice %arg8[%run_scoped3A, %dma_wait3A_72] : memref<1x80xi32, #tpu.memory_space<vmem>> -> memref<1x80xi32, #tpu.memory_space<vmem>>
        %dma_wait3A_74 = tpu.memref_squeeze %dma_wait3A_73 : memref<1x80xi32, #tpu.memory_space<vmem>> -> memref<80xi32, #tpu.memory_space<vmem>>
        %dma_wait3A_75 = arith.constant 0 : i32
        %dma_wait3A_76 = tpu.memref_slice %arg3[%add3A, %scan3A_22, %dma_wait3A_75] : memref<32x125x80xi32, #tpu.memory_space<hbm>> -> memref<1x1x80xi32, #tpu.memory_space<hbm>>
        %dma_wait3A_77 = tpu.memref_squeeze %dma_wait3A_76 : memref<1x1x80xi32, #tpu.memory_space<hbm>> -> memref<80xi32, #tpu.memory_space<hbm>>
        %dma_wait3A_78 = arith.constant 0 : i32
        %dma_wait3A_79 = tpu.memref_slice %arg8[%run_scoped3A, %dma_wait3A_78] : memref<1x80xi32, #tpu.memory_space<vmem>> -> memref<1x80xi32, #tpu.memory_space<vmem>>
        %dma_wait3A_80 = tpu.memref_squeeze %dma_wait3A_79 : memref<1x80xi32, #tpu.memory_space<vmem>> -> memref<80xi32, #tpu.memory_space<vmem>>
        %dma_wait3A_81 = arith.constant 0 : i32
        %dma_wait3A_82 = tpu.memref_slice %arg3[%add3A, %scan3A_22, %dma_wait3A_81] : memref<32x125x80xi32, #tpu.memory_space<hbm>> -> memref<1x1x80xi32, #tpu.memory_space<hbm>>
        %dma_wait3A_83 = tpu.memref_squeeze %dma_wait3A_82 : memref<1x1x80xi32, #tpu.memory_space<hbm>> -> memref<80xi32, #tpu.memory_space<hbm>>
        tpu.wait_dma2 semaphore(%run_scoped3A_59 : memref<!tpu.dma_semaphore, #tpu.memory_space<semaphore_mem>>) src(%dma_wait3A_83 : memref<80xi32, #tpu.memory_space<hbm>>) dst(%dma_wait3A_80 : memref<80xi32, #tpu.memory_space<vmem>>)
        tpu.yield
      }) : () -> ()
      %run_scoped3A_23 = arith.constant 0 : i32
      "tpu.region"() ({
        %run_scoped3A_59 = tpu.sem_alloc : memref<!tpu.dma_semaphore, #tpu.memory_space<semaphore_mem>>
        %dma_start3A_60 = arith.constant 0 : i32
        %dma_start3A_61 = tpu.memref_slice %arg9[%run_scoped3A_23, %dma_start3A_60] : memref<1x80xi32, #tpu.memory_space<vmem>> -> memref<1x80xi32, #tpu.memory_space<vmem>>
        %dma_start3A_62 = tpu.memref_squeeze %dma_start3A_61 : memref<1x80xi32, #tpu.memory_space<vmem>> -> memref<80xi32, #tpu.memory_space<vmem>>
        %dma_start3A_63 = arith.constant 0 : i32
        %dma_start3A_64 = tpu.memref_slice %arg4[%add3A, %scan3A_22, %dma_start3A_63] : memref<32x125x80xi32, #tpu.memory_space<hbm>> -> memref<1x1x80xi32, #tpu.memory_space<hbm>>
        %dma_start3A_65 = tpu.memref_squeeze %dma_start3A_64 : memref<1x1x80xi32, #tpu.memory_space<hbm>> -> memref<80xi32, #tpu.memory_space<hbm>>
        %dma_start3A_66 = arith.constant 0 : i32
        %dma_start3A_67 = tpu.memref_slice %arg9[%run_scoped3A_23, %dma_start3A_66] : memref<1x80xi32, #tpu.memory_space<vmem>> -> memref<1x80xi32, #tpu.memory_space<vmem>>
        %dma_start3A_68 = tpu.memref_squeeze %dma_start3A_67 : memref<1x80xi32, #tpu.memory_space<vmem>> -> memref<80xi32, #tpu.memory_space<vmem>>
        %dma_start3A_69 = arith.constant 0 : i32
        %dma_start3A_70 = tpu.memref_slice %arg4[%add3A, %scan3A_22, %dma_start3A_69] : memref<32x125x80xi32, #tpu.memory_space<hbm>> -> memref<1x1x80xi32, #tpu.memory_space<hbm>>
        %dma_start3A_71 = tpu.memref_squeeze %dma_start3A_70 : memref<1x1x80xi32, #tpu.memory_space<hbm>> -> memref<80xi32, #tpu.memory_space<hbm>>
        tpu.enqueue_dma source(%dma_start3A_71 : memref<80xi32, #tpu.memory_space<hbm>>) target(%dma_start3A_68 : memref<80xi32, #tpu.memory_space<vmem>>) target_semaphore(%run_scoped3A_59 : memref<!tpu.dma_semaphore, #tpu.memory_space<semaphore_mem>>)
        %dma_wait3A_72 = arith.constant 0 : i32
        %dma_wait3A_73 = tpu.memref_slice %arg9[%run_scoped3A_23, %dma_wait3A_72] : memref<1x80xi32, #tpu.memory_space<vmem>> -> memref<1x80xi32, #tpu.memory_space<vmem>>
        %dma_wait3A_74 = tpu.memref_squeeze %dma_wait3A_73 : memref<1x80xi32, #tpu.memory_space<vmem>> -> memref<80xi32, #tpu.memory_space<vmem>>
        %dma_wait3A_75 = arith.constant 0 : i32
        %dma_wait3A_76 = tpu.memref_slice %arg4[%add3A, %scan3A_22, %dma_wait3A_75] : memref<32x125x80xi32, #tpu.memory_space<hbm>> -> memref<1x1x80xi32, #tpu.memory_space<hbm>>
        %dma_wait3A_77 = tpu.memref_squeeze %dma_wait3A_76 : memref<1x1x80xi32, #tpu.memory_space<hbm>> -> memref<80xi32, #tpu.memory_space<hbm>>
        %dma_wait3A_78 = arith.constant 0 : i32
        %dma_wait3A_79 = tpu.memref_slice %arg9[%run_scoped3A_23, %dma_wait3A_78] : memref<1x80xi32, #tpu.memory_space<vmem>> -> memref<1x80xi32, #tpu.memory_space<vmem>>
        %dma_wait3A_80 = tpu.memref_squeeze %dma_wait3A_79 : memref<1x80xi32, #tpu.memory_space<vmem>> -> memref<80xi32, #tpu.memory_space<vmem>>
        %dma_wait3A_81 = arith.constant 0 : i32
        %dma_wait3A_82 = tpu.memref_slice %arg4[%add3A, %scan3A_22, %dma_wait3A_81] : memref<32x125x80xi32, #tpu.memory_space<hbm>> -> memref<1x1x80xi32, #tpu.memory_space<hbm>>
        %dma_wait3A_83 = tpu.memref_squeeze %dma_wait3A_82 : memref<1x1x80xi32, #tpu.memory_space<hbm>> -> memref<80xi32, #tpu.memory_space<hbm>>
        tpu.wait_dma2 semaphore(%run_scoped3A_59 : memref<!tpu.dma_semaphore, #tpu.memory_space<semaphore_mem>>) src(%dma_wait3A_83 : memref<80xi32, #tpu.memory_space<hbm>>) dst(%dma_wait3A_80 : memref<80xi32, #tpu.memory_space<vmem>>)
        tpu.yield
      }) : () -> ()
      %dma_start3A = arith.constant 0 : i32
      %dma_start3A_24 = arith.constant 0 : i32
      %dma_start3A_25 = tpu.memref_slice %arg8[%dma_start3A, %dma_start3A_24] : memref<1x80xi32, #tpu.memory_space<vmem>> -> memref<1x80xi32, #tpu.memory_space<vmem>>
      %dma_start3A_26 = tpu.memref_squeeze %dma_start3A_25 : memref<1x80xi32, #tpu.memory_space<vmem>> -> memref<80xi32, #tpu.memory_space<vmem>>
      %dma_start3A_27 = arith.constant 0 : i32
      %dma_start3A_28 = arith.constant 0 : i32
      %dma_start3A_29 = tpu.memref_slice %arg2[%dma_start3A_27, %dma_start3A_28] : memref<10000x128xf32, #tpu.memory_space<hbm>> -> memref<10000x128xf32, #tpu.memory_space<hbm>>
      tpu.enqueue_indirect_dma source(%dma_start3A_29 : memref<10000x128xf32, #tpu.memory_space<hbm>>) target(%arg10 : memref<80x128xf32, #tpu.memory_space<vmem>>) offsets(%dma_start3A_26 : memref<80xi32, #tpu.memory_space<vmem>>) semaphore(%arg13 : memref<!tpu.dma_semaphore, #tpu.memory_space<semaphore_mem>>)
      %dma_start3A_30 = arith.constant 0 : i32
      %dma_start3A_31 = arith.constant 0 : i32
      %dma_start3A_32 = tpu.memref_slice %arg5[%add3A, %scan3A_22, %dma_start3A_30, %dma_start3A_31] : memref<32x125x80x128xf32, #tpu.memory_space<hbm>> -> memref<1x1x80x128xf32, #tpu.memory_space<hbm>>
      %dma_start3A_33 = tpu.memref_squeeze %dma_start3A_32 : memref<1x1x80x128xf32, #tpu.memory_space<hbm>> -> memref<80x128xf32, #tpu.memory_space<hbm>>
      %dma_start3A_34 = arith.constant 0 : i32
      %dma_start3A_35 = arith.constant 0 : i32
      %dma_start3A_36 = tpu.memref_slice %arg5[%add3A, %scan3A_22, %dma_start3A_34, %dma_start3A_35] : memref<32x125x80x128xf32, #tpu.memory_space<hbm>> -> memref<1x1x80x128xf32, #tpu.memory_space<hbm>>
      %dma_start3A_37 = tpu.memref_squeeze %dma_start3A_36 : memref<1x1x80x128xf32, #tpu.memory_space<hbm>> -> memref<80x128xf32, #tpu.memory_space<hbm>>
      tpu.enqueue_dma source(%dma_start3A_37 : memref<80x128xf32, #tpu.memory_space<hbm>>) target(%arg11 : memref<80x128xf32, #tpu.memory_space<vmem>>) target_semaphore(%arg14 : memref<!tpu.dma_semaphore, #tpu.memory_space<semaphore_mem>>)
      %dma_wait3A = arith.constant 0 : i32
      %dma_wait3A_38 = arith.constant 0 : i32
      %dma_wait3A_39 = tpu.memref_slice %arg8[%dma_wait3A, %dma_wait3A_38] : memref<1x80xi32, #tpu.memory_space<vmem>> -> memref<1x80xi32, #tpu.memory_space<vmem>>
      %dma_wait3A_40 = tpu.memref_squeeze %dma_wait3A_39 : memref<1x80xi32, #tpu.memory_space<vmem>> -> memref<80xi32, #tpu.memory_space<vmem>>
      %dma_wait3A_41 = arith.constant 0 : i32
      %dma_wait3A_42 = arith.constant 0 : i32
      %dma_wait3A_43 = tpu.memref_slice %arg2[%dma_wait3A_41, %dma_wait3A_42] : memref<10000x128xf32, #tpu.memory_space<hbm>> -> memref<10000x128xf32, #tpu.memory_space<hbm>>
      tpu.wait_indirect_dma semaphore(%arg13 : memref<!tpu.dma_semaphore, #tpu.memory_space<semaphore_mem>>) src(%dma_wait3A_43 : memref<10000x128xf32, #tpu.memory_space<hbm>>) dst(%arg10 : memref<80x128xf32, #tpu.memory_space<vmem>>)
      %dma_wait3A_44 = arith.constant 0 : i32
      %dma_wait3A_45 = arith.constant 0 : i32
      %dma_wait3A_46 = tpu.memref_slice %arg5[%add3A, %scan3A_22, %dma_wait3A_44, %dma_wait3A_45] : memref<32x125x80x128xf32, #tpu.memory_space<hbm>> -> memref<1x1x80x128xf32, #tpu.memory_space<hbm>>
      %dma_wait3A_47 = tpu.memref_squeeze %dma_wait3A_46 : memref<1x1x80x128xf32, #tpu.memory_space<hbm>> -> memref<80x128xf32, #tpu.memory_space<hbm>>
      %dma_wait3A_48 = arith.constant 0 : i32
      %dma_wait3A_49 = arith.constant 0 : i32
      %dma_wait3A_50 = tpu.memref_slice %arg5[%add3A, %scan3A_22, %dma_wait3A_48, %dma_wait3A_49] : memref<32x125x80x128xf32, #tpu.memory_space<hbm>> -> memref<1x1x80x128xf32, #tpu.memory_space<hbm>>
      %dma_wait3A_51 = tpu.memref_squeeze %dma_wait3A_50 : memref<1x1x80x128xf32, #tpu.memory_space<hbm>> -> memref<80x128xf32, #tpu.memory_space<hbm>>
      tpu.wait_dma2 semaphore(%arg14 : memref<!tpu.dma_semaphore, #tpu.memory_space<semaphore_mem>>) src(%dma_wait3A_51 : memref<80x128xf32, #tpu.memory_space<hbm>>) dst(%arg11 : memref<80x128xf32, #tpu.memory_space<vmem>>)
      %scan3A_52 = arith.constant 0 : i32
      %scan3A_53 = arith.constant 0 : i32
      %scan3A_54 = arith.constant 80 : i32
      %scan3A_55 = arith.addi %scan3A_53, %scan3A_54 : i32
      %scan3A_56 = arith.constant 1 : i32
      scf.for %scan3A_59 = %scan3A_53 to %scan3A_55 step %scan3A_56  : i32 {
        %get3A = arith.index_cast %scan3A_59 : i32 to index
        %get3A_60 = arith.constant 0 : index
        %get3A_61 = tpu.vector_load %arg10[%get3A, %get3A_60] {strides = array<i32>} : memref<80x128xf32, #tpu.memory_space<vmem>>, vector<1x16xf32>,
        %get3A_62 = vector.shape_cast %get3A_61 : vector<1x16xf32> to vector<16xf32>
        %get3A_63 = arith.index_cast %scan3A_59 : i32 to index
        %get3A_64 = arith.constant 0 : index
        %get3A_65 = tpu.vector_load %arg11[%get3A_63, %get3A_64] {strides = array<i32>} : memref<80x128xf32, #tpu.memory_space<vmem>>, vector<1x16xf32>,
        %get3A_66 = vector.shape_cast %get3A_65 : vector<1x16xf32> to vector<16xf32>
        %add3A_67 = arith.addf %get3A_62, %get3A_66 : vector<16xf32>
        %max3A = arith.constant 0.000000e+00 : f32
        %max3A_68 = vector.broadcast %max3A : f32 to vector<16xf32>
        %max3A_69 = arith.maximumf %add3A_67, %max3A_68 : vector<16xf32>
        %swap3A = arith.index_cast %scan3A_59 : i32 to index
        %swap3A_70 = arith.constant 0 : index
        %swap3A_71 = tpu.vector_load %arg10[%swap3A, %swap3A_70] {strides = array<i32>} : memref<80x128xf32, #tpu.memory_space<vmem>>, vector<1x16xf32>,
        %swap3A_72 = vector.shape_cast %swap3A_71 : vector<1x16xf32> to vector<16xf32>
        %swap3A_73 = vector.shape_cast %max3A_69 : vector<16xf32> to vector<1x16xf32>
        tpu.vector_store %arg10[%swap3A, %swap3A_70], %swap3A_73 {strides = array<i32>} : memref<80x128xf32, #tpu.memory_space<vmem>>, vector<1x16xf32>,
        %get3A_74 = arith.index_cast %scan3A_59 : i32 to index
        %get3A_75 = arith.constant 16 : index
        %get3A_76 = tpu.vector_load %arg10[%get3A_74, %get3A_75] {strides = array<i32>} : memref<80x128xf32, #tpu.memory_space<vmem>>, vector<1x16xf32>,
        %get3A_77 = vector.shape_cast %get3A_76 : vector<1x16xf32> to vector<16xf32>
        %get3A_78 = arith.index_cast %scan3A_59 : i32 to index
        %get3A_79 = arith.constant 16 : index
        %get3A_80 = tpu.vector_load %arg11[%get3A_78, %get3A_79] {strides = array<i32>} : memref<80x128xf32, #tpu.memory_space<vmem>>, vector<1x16xf32>,
        %get3A_81 = vector.shape_cast %get3A_80 : vector<1x16xf32> to vector<16xf32>
        %add3A_82 = arith.addf %get3A_77, %get3A_81 : vector<16xf32>
        %max3A_83 = arith.constant 0.000000e+00 : f32
        %max3A_84 = vector.broadcast %max3A_83 : f32 to vector<16xf32>
        %max3A_85 = arith.maximumf %add3A_82, %max3A_84 : vector<16xf32>
        %swap3A_86 = arith.index_cast %scan3A_59 : i32 to index
        %swap3A_87 = arith.constant 16 : index
        %swap3A_88 = tpu.vector_load %arg10[%swap3A_86, %swap3A_87] {strides = array<i32>} : memref<80x128xf32, #tpu.memory_space<vmem>>, vector<1x16xf32>,
        %swap3A_89 = vector.shape_cast %swap3A_88 : vector<1x16xf32> to vector<16xf32>
        %swap3A_90 = vector.shape_cast %max3A_85 : vector<16xf32> to vector<1x16xf32>
        tpu.vector_store %arg10[%swap3A_86, %swap3A_87], %swap3A_90 {strides = array<i32>} : memref<80x128xf32, #tpu.memory_space<vmem>>, vector<1x16xf32>,
        %get3A_91 = arith.index_cast %scan3A_59 : i32 to index
        %get3A_92 = arith.constant 32 : index
        %get3A_93 = tpu.vector_load %arg10[%get3A_91, %get3A_92] {strides = array<i32>} : memref<80x128xf32, #tpu.memory_space<vmem>>, vector<1x16xf32>,
        %get3A_94 = vector.shape_cast %get3A_93 : vector<1x16xf32> to vector<16xf32>
        %get3A_95 = arith.index_cast %scan3A_59 : i32 to index
        %get3A_96 = arith.constant 32 : index
        %get3A_97 = tpu.vector_load %arg11[%get3A_95, %get3A_96] {strides = array<i32>} : memref<80x128xf32, #tpu.memory_space<vmem>>, vector<1x16xf32>,
        %get3A_98 = vector.shape_cast %get3A_97 : vector<1x16xf32> to vector<16xf32>
        %add3A_99 = arith.addf %get3A_94, %get3A_98 : vector<16xf32>
        %max3A_100 = arith.constant 0.000000e+00 : f32
        %max3A_101 = vector.broadcast %max3A_100 : f32 to vector<16xf32>
        %max3A_102 = arith.maximumf %add3A_99, %max3A_101 : vector<16xf32>
        %swap3A_103 = arith.index_cast %scan3A_59 : i32 to index
        %swap3A_104 = arith.constant 32 : index
        %swap3A_105 = tpu.vector_load %arg10[%swap3A_103, %swap3A_104] {strides = array<i32>} : memref<80x128xf32, #tpu.memory_space<vmem>>, vector<1x16xf32>,
        %swap3A_106 = vector.shape_cast %swap3A_105 : vector<1x16xf32> to vector<16xf32>
        %swap3A_107 = vector.shape_cast %max3A_102 : vector<16xf32> to vector<1x16xf32>
        tpu.vector_store %arg10[%swap3A_103, %swap3A_104], %swap3A_107 {strides = array<i32>} : memref<80x128xf32, #tpu.memory_space<vmem>>, vector<1x16xf32>,
        %get3A_108 = arith.index_cast %scan3A_59 : i32 to index
        %get3A_109 = arith.constant 48 : index
        %get3A_110 = tpu.vector_load %arg10[%get3A_108, %get3A_109] {strides = array<i32>} : memref<80x128xf32, #tpu.memory_space<vmem>>, vector<1x16xf32>,
        %get3A_111 = vector.shape_cast %get3A_110 : vector<1x16xf32> to vector<16xf32>
        %get3A_112 = arith.index_cast %scan3A_59 : i32 to index
        %get3A_113 = arith.constant 48 : index
        %get3A_114 = tpu.vector_load %arg11[%get3A_112, %get3A_113] {strides = array<i32>} : memref<80x128xf32, #tpu.memory_space<vmem>>, vector<1x16xf32>,
        %get3A_115 = vector.shape_cast %get3A_114 : vector<1x16xf32> to vector<16xf32>
        %add3A_116 = arith.addf %get3A_111, %get3A_115 : vector<16xf32>
        %max3A_117 = arith.constant 0.000000e+00 : f32
        %max3A_118 = vector.broadcast %max3A_117 : f32 to vector<16xf32>
        %max3A_119 = arith.maximumf %add3A_116, %max3A_118 : vector<16xf32>
        %swap3A_120 = arith.index_cast %scan3A_59 : i32 to index
        %swap3A_121 = arith.constant 48 : index
        %swap3A_122 = tpu.vector_load %arg10[%swap3A_120, %swap3A_121] {strides = array<i32>} : memref<80x128xf32, #tpu.memory_space<vmem>>, vector<1x16xf32>,
        %swap3A_123 = vector.shape_cast %swap3A_122 : vector<1x16xf32> to vector<16xf32>
        %swap3A_124 = vector.shape_cast %max3A_119 : vector<16xf32> to vector<1x16xf32>
        tpu.vector_store %arg10[%swap3A_120, %swap3A_121], %swap3A_124 {strides = array<i32>} : memref<80x128xf32, #tpu.memory_space<vmem>>, vector<1x16xf32>,
        %get3A_125 = arith.index_cast %scan3A_59 : i32 to index
        %get3A_126 = arith.constant 64 : index
        %get3A_127 = tpu.vector_load %arg10[%get3A_125, %get3A_126] {strides = array<i32>} : memref<80x128xf32, #tpu.memory_space<vmem>>, vector<1x16xf32>,
        %get3A_128 = vector.shape_cast %get3A_127 : vector<1x16xf32> to vector<16xf32>
        %get3A_129 = arith.index_cast %scan3A_59 : i32 to index
        %get3A_130 = arith.constant 64 : index
        %get3A_131 = tpu.vector_load %arg11[%get3A_129, %get3A_130] {strides = array<i32>} : memref<80x128xf32, #tpu.memory_space<vmem>>, vector<1x16xf32>,
        %get3A_132 = vector.shape_cast %get3A_131 : vector<1x16xf32> to vector<16xf32>
        %add3A_133 = arith.addf %get3A_128, %get3A_132 : vector<16xf32>
        %max3A_134 = arith.constant 0.000000e+00 : f32
        %max3A_135 = vector.broadcast %max3A_134 : f32 to vector<16xf32>
        %max3A_136 = arith.maximumf %add3A_133, %max3A_135 : vector<16xf32>
        %swap3A_137 = arith.index_cast %scan3A_59 : i32 to index
        %swap3A_138 = arith.constant 64 : index
        %swap3A_139 = tpu.vector_load %arg10[%swap3A_137, %swap3A_138] {strides = array<i32>} : memref<80x128xf32, #tpu.memory_space<vmem>>, vector<1x16xf32>,
        %swap3A_140 = vector.shape_cast %swap3A_139 : vector<1x16xf32> to vector<16xf32>
        %swap3A_141 = vector.shape_cast %max3A_136 : vector<16xf32> to vector<1x16xf32>
        tpu.vector_store %arg10[%swap3A_137, %swap3A_138], %swap3A_141 {strides = array<i32>} : memref<80x128xf32, #tpu.memory_space<vmem>>, vector<1x16xf32>,
        %get3A_142 = arith.index_cast %scan3A_59 : i32 to index
        %get3A_143 = arith.constant 80 : index
        %get3A_144 = tpu.vector_load %arg10[%get3A_142, %get3A_143] {strides = array<i32>} : memref<80x128xf32, #tpu.memory_space<vmem>>, vector<1x16xf32>,
        %get3A_145 = vector.shape_cast %get3A_144 : vector<1x16xf32> to vector<16xf32>
        %get3A_146 = arith.index_cast %scan3A_59 : i32 to index
        %get3A_147 = arith.constant 80 : index
        %get3A_148 = tpu.vector_load %arg11[%get3A_146, %get3A_147] {strides = array<i32>} : memref<80x128xf32, #tpu.memory_space<vmem>>, vector<1x16xf32>,
        %get3A_149 = vector.shape_cast %get3A_148 : vector<1x16xf32> to vector<16xf32>
        %add3A_150 = arith.addf %get3A_145, %get3A_149 : vector<16xf32>
        %max3A_151 = arith.constant 0.000000e+00 : f32
        %max3A_152 = vector.broadcast %max3A_151 : f32 to vector<16xf32>
        %max3A_153 = arith.maximumf %add3A_150, %max3A_152 : vector<16xf32>
        %swap3A_154 = arith.index_cast %scan3A_59 : i32 to index
        %swap3A_155 = arith.constant 80 : index
        %swap3A_156 = tpu.vector_load %arg10[%swap3A_154, %swap3A_155] {strides = array<i32>} : memref<80x128xf32, #tpu.memory_space<vmem>>, vector<1x16xf32>,
        %swap3A_157 = vector.shape_cast %swap3A_156 : vector<1x16xf32> to vector<16xf32>
        %swap3A_158 = vector.shape_cast %max3A_153 : vector<16xf32> to vector<1x16xf32>
        tpu.vector_store %arg10[%swap3A_154, %swap3A_155], %swap3A_158 {strides = array<i32>} : memref<80x128xf32, #tpu.memory_space<vmem>>, vector<1x16xf32>,
        %get3A_159 = arith.index_cast %scan3A_59 : i32 to index
        %get3A_160 = arith.constant 96 : index
        %get3A_161 = tpu.vector_load %arg10[%get3A_159, %get3A_160] {strides = array<i32>} : memref<80x128xf32, #tpu.memory_space<vmem>>, vector<1x16xf32>,
        %get3A_162 = vector.shape_cast %get3A_161 : vector<1x16xf32> to vector<16xf32>
        %get3A_163 = arith.index_cast %scan3A_59 : i32 to index
        %get3A_164 = arith.constant 96 : index
        %get3A_165 = tpu.vector_load %arg11[%get3A_163, %get3A_164] {strides = array<i32>} : memref<80x128xf32, #tpu.memory_space<vmem>>, vector<1x16xf32>,
        %get3A_166 = vector.shape_cast %get3A_165 : vector<1x16xf32> to vector<16xf32>
        %add3A_167 = arith.addf %get3A_162, %get3A_166 : vector<16xf32>
        %max3A_168 = arith.constant 0.000000e+00 : f32
        %max3A_169 = vector.broadcast %max3A_168 : f32 to vector<16xf32>
        %max3A_170 = arith.maximumf %add3A_167, %max3A_169 : vector<16xf32>
        %swap3A_171 = arith.index_cast %scan3A_59 : i32 to index
        %swap3A_172 = arith.constant 96 : index
        %swap3A_173 = tpu.vector_load %arg10[%swap3A_171, %swap3A_172] {strides = array<i32>} : memref<80x128xf32, #tpu.memory_space<vmem>>, vector<1x16xf32>,
        %swap3A_174 = vector.shape_cast %swap3A_173 : vector<1x16xf32> to vector<16xf32>
        %swap3A_175 = vector.shape_cast %max3A_170 : vector<16xf32> to vector<1x16xf32>
        tpu.vector_store %arg10[%swap3A_171, %swap3A_172], %swap3A_175 {strides = array<i32>} : memref<80x128xf32, #tpu.memory_space<vmem>>, vector<1x16xf32>,
        %get3A_176 = arith.index_cast %scan3A_59 : i32 to index
        %get3A_177 = arith.constant 112 : index
        %get3A_178 = tpu.vector_load %arg10[%get3A_176, %get3A_177] {strides = array<i32>} : memref<80x128xf32, #tpu.memory_space<vmem>>, vector<1x16xf32>,
        %get3A_179 = vector.shape_cast %get3A_178 : vector<1x16xf32> to vector<16xf32>
        %get3A_180 = arith.index_cast %scan3A_59 : i32 to index
        %get3A_181 = arith.constant 112 : index
        %get3A_182 = tpu.vector_load %arg11[%get3A_180, %get3A_181] {strides = array<i32>} : memref<80x128xf32, #tpu.memory_space<vmem>>, vector<1x16xf32>,
        %get3A_183 = vector.shape_cast %get3A_182 : vector<1x16xf32> to vector<16xf32>
        %add3A_184 = arith.addf %get3A_179, %get3A_183 : vector<16xf32>
        %max3A_185 = arith.constant 0.000000e+00 : f32
        %max3A_186 = vector.broadcast %max3A_185 : f32 to vector<16xf32>
        %max3A_187 = arith.maximumf %add3A_184, %max3A_186 : vector<16xf32>
        %swap3A_188 = arith.index_cast %scan3A_59 : i32 to index
        %swap3A_189 = arith.constant 112 : index
        %swap3A_190 = tpu.vector_load %arg10[%swap3A_188, %swap3A_189] {strides = array<i32>} : memref<80x128xf32, #tpu.memory_space<vmem>>, vector<1x16xf32>,
        %swap3A_191 = vector.shape_cast %swap3A_190 : vector<1x16xf32> to vector<16xf32>
        %swap3A_192 = vector.shape_cast %max3A_187 : vector<16xf32> to vector<1x16xf32>
        tpu.vector_store %arg10[%swap3A_188, %swap3A_189], %swap3A_192 {strides = array<i32>} : memref<80x128xf32, #tpu.memory_space<vmem>>, vector<1x16xf32>,
      }
      %scan3A_57 = arith.constant 80 : i32
      %run_scoped3A_58 = arith.constant 0 : i32
      "tpu.region"() ({
        %run_scoped3A_59 = tpu.sem_alloc : memref<!tpu.dma_semaphore, #tpu.memory_space<semaphore_mem>>
        %dma_start3A_60 = arith.constant 0 : i32
        %dma_start3A_61 = tpu.memref_slice %arg9[%run_scoped3A_58, %dma_start3A_60] : memref<1x80xi32, #tpu.memory_space<vmem>> -> memref<1x80xi32, #tpu.memory_space<vmem>>
        %dma_start3A_62 = tpu.memref_squeeze %dma_start3A_61 : memref<1x80xi32, #tpu.memory_space<vmem>> -> memref<80xi32, #tpu.memory_space<vmem>>
        %dma_start3A_63 = arith.constant 0 : i32
        %dma_start3A_64 = arith.constant 0 : i32
        %dma_start3A_65 = tpu.memref_slice %arg12[%dma_start3A_63, %dma_start3A_64] : memref<10000x128xf32, #tpu.memory_space<vmem_shared>> -> memref<10000x128xf32, #tpu.memory_space<vmem_shared>>
        tpu.enqueue_indirect_dma source(%arg10 : memref<80x128xf32, #tpu.memory_space<vmem>>) target(%dma_start3A_65 : memref<10000x128xf32, #tpu.memory_space<vmem_shared>>) offsets(%dma_start3A_62 : memref<80xi32, #tpu.memory_space<vmem>>) semaphore(%run_scoped3A_59 : memref<!tpu.dma_semaphore, #tpu.memory_space<semaphore_mem>>) {add = true}
        %dma_wait3A_66 = arith.constant 0 : i32
        %dma_wait3A_67 = tpu.memref_slice %arg9[%run_scoped3A_58, %dma_wait3A_66] : memref<1x80xi32, #tpu.memory_space<vmem>> -> memref<1x80xi32, #tpu.memory_space<vmem>>
        %dma_wait3A_68 = tpu.memref_squeeze %dma_wait3A_67 : memref<1x80xi32, #tpu.memory_space<vmem>> -> memref<80xi32, #tpu.memory_space<vmem>>
        %dma_wait3A_69 = arith.constant 0 : i32
        %dma_wait3A_70 = arith.constant 0 : i32
        %dma_wait3A_71 = tpu.memref_slice %arg12[%dma_wait3A_69, %dma_wait3A_70] : memref<10000x128xf32, #tpu.memory_space<vmem_shared>> -> memref<10000x128xf32, #tpu.memory_space<vmem_shared>>
        tpu.wait_indirect_dma semaphore(%run_scoped3A_59 : memref<!tpu.dma_semaphore, #tpu.memory_space<semaphore_mem>>) src(%arg10 : memref<80x128xf32, #tpu.memory_space<vmem>>) dst(%dma_wait3A_71 : memref<10000x128xf32, #tpu.memory_space<vmem_shared>>)
        tpu.yield
      }) : () -> ()
    }
    %scan3A_11 = arith.constant 125 : i32
    %barrier3A_12 = arith.constant 0 : index
    tpu.barrier barrier_id(%barrier3A_12)
    %mul3A_13 = arith.constant 624 : i32
    %mul3A_14 = arith.muli %arg1, %mul3A_13 : i32
    %mul3A_15 = arith.constant 624 : i32
    %mul3A_16 = arith.muli %arg1, %mul3A_15 : i32
    "tpu.region"() ({
      %run_scoped3A = tpu.sem_alloc : memref<!tpu.dma_semaphore, #tpu.memory_space<semaphore_mem>>
      %dma_start3A = arith.constant 0 : i32
      %dma_start3A_22 = tpu.memref_slice %arg7[%arg0, %mul3A_16, %dma_start3A] : memref<2x10000x128xf32, #tpu.memory_space<hbm>> -> memref<1x624x128xf32, #tpu.memory_space<hbm>>
      %dma_start3A_23 = tpu.memref_squeeze %dma_start3A_22 : memref<1x624x128xf32, #tpu.memory_space<hbm>> -> memref<624x128xf32, #tpu.memory_space<hbm>>
      %dma_start3A_24 = arith.constant 0 : i32
      %dma_start3A_25 = tpu.memref_slice %arg12[%mul3A_14, %dma_start3A_24] : memref<10000x128xf32, #tpu.memory_space<vmem_shared>> -> memref<624x128xf32, #tpu.memory_space<vmem_shared>>
      tpu.enqueue_dma source(%dma_start3A_25 : memref<624x128xf32, #tpu.memory_space<vmem_shared>>) target(%dma_start3A_23 : memref<624x128xf32, #tpu.memory_space<hbm>>) target_semaphore(%run_scoped3A : memref<!tpu.dma_semaphore, #tpu.memory_space<semaphore_mem>>)
      %dma_wait3A = arith.constant 0 : i32
      %dma_wait3A_26 = tpu.memref_slice %arg7[%arg0, %mul3A_16, %dma_wait3A] : memref<2x10000x128xf32, #tpu.memory_space<hbm>> -> memref<1x624x128xf32, #tpu.memory_space<hbm>>
      %dma_wait3A_27 = tpu.memref_squeeze %dma_wait3A_26 : memref<1x624x128xf32, #tpu.memory_space<hbm>> -> memref<624x128xf32, #tpu.memory_space<hbm>>
      %dma_wait3A_28 = arith.constant 0 : i32
      %dma_wait3A_29 = tpu.memref_slice %arg12[%mul3A_14, %dma_wait3A_28] : memref<10000x128xf32, #tpu.memory_space<vmem_shared>> -> memref<624x128xf32, #tpu.memory_space<vmem_shared>>
      tpu.wait_dma2 semaphore(%run_scoped3A : memref<!tpu.dma_semaphore, #tpu.memory_space<semaphore_mem>>) src(%dma_wait3A_29 : memref<624x128xf32, #tpu.memory_space<vmem_shared>>) dst(%dma_wait3A_27 : memref<624x128xf32, #tpu.memory_space<hbm>>)
      tpu.yield
    }) : () -> ()
    %eq3A_17 = arith.constant 0 : i32
    %eq3A_18 = arith.cmpi eq, %arg1, %eq3A_17 : i32
    %convert_element_type3A_19 = arith.extui %eq3A_18 : i1 to i32
    %cond3A_20 = arith.constant 0 : i32
    %cond3A_21 = arith.cmpi ne, %convert_element_type3A_19, %cond3A_20 : i32
    scf.if %cond3A_21 {
      "tpu.region"() ({
        %run_scoped3A = tpu.sem_alloc : memref<!tpu.dma_semaphore, #tpu.memory_space<semaphore_mem>>
        %dma_start3A = arith.constant 9984 : i32
        %dma_start3A_22 = arith.constant 0 : i32
        %dma_start3A_23 = tpu.memref_slice %arg7[%arg0, %dma_start3A, %dma_start3A_22] : memref<2x10000x128xf32, #tpu.memory_space<hbm>> -> memref<1x16x128xf32, #tpu.memory_space<hbm>>
        %dma_start3A_24 = tpu.memref_squeeze %dma_start3A_23 : memref<1x16x128xf32, #tpu.memory_space<hbm>> -> memref<16x128xf32, #tpu.memory_space<hbm>>
        %dma_start3A_25 = arith.constant 9984 : i32
        %dma_start3A_26 = arith.constant 0 : i32
        %dma_start3A_27 = tpu.memref_slice %arg12[%dma_start3A_25, %dma_start3A_26] : memref<10000x128xf32, #tpu.memory_space<vmem_shared>> -> memref<16x128xf32, #tpu.memory_space<vmem_shared>>
        tpu.enqueue_dma source(%dma_start3A_27 : memref<16x128xf32, #tpu.memory_space<vmem_shared>>) target(%dma_start3A_24 : memref<16x128xf32, #tpu.memory_space<hbm>>) target_semaphore(%run_scoped3A : memref<!tpu.dma_semaphore, #tpu.memory_space<semaphore_mem>>)
        %dma_wait3A = arith.constant 9984 : i32
        %dma_wait3A_28 = arith.constant 0 : i32
        %dma_wait3A_29 = tpu.memref_slice %arg7[%arg0, %dma_wait3A, %dma_wait3A_28] : memref<2x10000x128xf32, #tpu.memory_space<hbm>> -> memref<1x16x128xf32, #tpu.memory_space<hbm>>
        %dma_wait3A_30 = tpu.memref_squeeze %dma_wait3A_29 : memref<1x16x128xf32, #tpu.memory_space<hbm>> -> memref<16x128xf32, #tpu.memory_space<hbm>>
        %dma_wait3A_31 = arith.constant 9984 : i32
        %dma_wait3A_32 = arith.constant 0 : i32
        %dma_wait3A_33 = tpu.memref_slice %arg12[%dma_wait3A_31, %dma_wait3A_32] : memref<10000x128xf32, #tpu.memory_space<vmem_shared>> -> memref<16x128xf32, #tpu.memory_space<vmem_shared>>
        tpu.wait_dma2 semaphore(%run_scoped3A : memref<!tpu.dma_semaphore, #tpu.memory_space<semaphore_mem>>) src(%dma_wait3A_33 : memref<16x128xf32, #tpu.memory_space<vmem_shared>>) dst(%dma_wait3A_30 : memref<16x128xf32, #tpu.memory_space<hbm>>)
        tpu.yield
      }) : () -> ()
    } else {
    }
    return
  }
}

#map = affine_map<(d0, d1) -> (0, 0)>
#map1 = affine_map<(d0, d1) -> (0, 0, 0)>
#map2 = affine_map<(d0, d1) -> (0, 0, 0, 0)>
module attributes {stable_mosaic.version = 14 : i64} {
  func.func @sc_agg(%arg0: i32, %arg1: i32, %arg2: memref<10000x128xf32, #tpu.memory_space<hbm>>, %arg3: memref<32x125x80xi32, #tpu.memory_space<hbm>>, %arg4: memref<32x125x80xi32, #tpu.memory_space<hbm>>, %arg5: memref<32x125x80x128xf32, #tpu.memory_space<hbm>>, %arg6: memref<10000x128xf32, #tpu.memory_space<hbm>>, %arg7: memref<2x10000x128xf32, #tpu.memory_space<hbm>>, %arg8: memref<1x80xi32, #tpu.memory_space<vmem>>, %arg9: memref<1x80xi32, #tpu.memory_space<vmem>>, %arg10: memref<80x128xf32, #tpu.memory_space<vmem>>, %arg11: memref<80x128xf32, #tpu.memory_space<vmem>>, %arg12: memref<10000x128xf32, #tpu.memory_space<vmem_shared>>, %arg13: memref<!tpu.dma_semaphore, #tpu.memory_space<semaphore_mem>>, %arg14: memref<!tpu.dma_semaphore, #tpu.memory_space<semaphore_mem>>) attributes {dimension_semantics = [#tpu.dimension_semantics<core_parallel>, #tpu.dimension_semantics<subcore_parallel>], iteration_bounds = array<i64: 2, 16>, scalar_prefetch = 0 : i64, scratch_operands = 7 : i64, tpu.core_type = #tpu.core_type<sc_vector_subcore>, window_params = [{transform_indices = #map}, {transform_indices = #map1}, {transform_indices = #map1}, {transform_indices = #map2}, {transform_indices = #map}, {transform_indices = #map1}]} {
    %mul3A = arith.constant 16 : i32
    %mul3A_0 = arith.muli %arg0, %mul3A : i32
    %add3A = arith.addi %mul3A_0, %arg1 : i32
    %mul3A_1 = arith.constant 624 : i32
    %mul3A_2 = arith.muli %arg1, %mul3A_1 : i32
    %mul3A_3 = arith.constant 624 : i32
    %mul3A_4 = arith.muli %arg1, %mul3A_3 : i32
    "tpu.region"() ({
      %run_scoped3A = tpu.sem_alloc : memref<!tpu.dma_semaphore, #tpu.memory_space<semaphore_mem>>
      %dma_start3A = arith.constant 0 : i32
      %dma_start3A_22 = tpu.memref_slice %arg12[%mul3A_4, %dma_start3A] : memref<10000x128xf32, #tpu.memory_space<vmem_shared>> -> memref<624x128xf32, #tpu.memory_space<vmem_shared>>
      %dma_start3A_23 = arith.constant 0 : i32
      %dma_start3A_24 = tpu.memref_slice %arg6[%mul3A_2, %dma_start3A_23] : memref<10000x128xf32, #tpu.memory_space<hbm>> -> memref<624x128xf32, #tpu.memory_space<hbm>>
      tpu.enqueue_dma source(%dma_start3A_24 : memref<624x128xf32, #tpu.memory_space<hbm>>) target(%dma_start3A_22 : memref<624x128xf32, #tpu.memory_space<vmem_shared>>) target_semaphore(%run_scoped3A : memref<!tpu.dma_semaphore, #tpu.memory_space<semaphore_mem>>)
      %dma_wait3A = arith.constant 0 : i32
      %dma_wait3A_25 = tpu.memref_slice %arg12[%mul3A_4, %dma_wait3A] : memref<10000x128xf32, #tpu.memory_space<vmem_shared>> -> memref<624x128xf32, #tpu.memory_space<vmem_shared>>
      %dma_wait3A_26 = arith.constant 0 : i32
      %dma_wait3A_27 = tpu.memref_slice %arg6[%mul3A_2, %dma_wait3A_26] : memref<10000x128xf32, #tpu.memory_space<hbm>> -> memref<624x128xf32, #tpu.memory_space<hbm>>
      tpu.wait_dma2 semaphore(%run_scoped3A : memref<!tpu.dma_semaphore, #tpu.memory_space<semaphore_mem>>) src(%dma_wait3A_27 : memref<624x128xf32, #tpu.memory_space<hbm>>) dst(%dma_wait3A_25 : memref<624x128xf32, #tpu.memory_space<vmem_shared>>)
      tpu.yield
    }) : () -> ()
    %eq3A = arith.constant 0 : i32
    %eq3A_5 = arith.cmpi eq, %arg1, %eq3A : i32
    %convert_element_type3A = arith.extui %eq3A_5 : i1 to i32
    %cond3A = arith.constant 0 : i32
    %cond3A_6 = arith.cmpi ne, %convert_element_type3A, %cond3A : i32
    scf.if %cond3A_6 {
      "tpu.region"() ({
        %run_scoped3A = tpu.sem_alloc : memref<!tpu.dma_semaphore, #tpu.memory_space<semaphore_mem>>
        %dma_start3A = arith.constant 9984 : i32
        %dma_start3A_22 = arith.constant 0 : i32
        %dma_start3A_23 = tpu.memref_slice %arg12[%dma_start3A, %dma_start3A_22] : memref<10000x128xf32, #tpu.memory_space<vmem_shared>> -> memref<16x128xf32, #tpu.memory_space<vmem_shared>>
        %dma_start3A_24 = arith.constant 9984 : i32
        %dma_start3A_25 = arith.constant 0 : i32
        %dma_start3A_26 = tpu.memref_slice %arg6[%dma_start3A_24, %dma_start3A_25] : memref<10000x128xf32, #tpu.memory_space<hbm>> -> memref<16x128xf32, #tpu.memory_space<hbm>>
        tpu.enqueue_dma source(%dma_start3A_26 : memref<16x128xf32, #tpu.memory_space<hbm>>) target(%dma_start3A_23 : memref<16x128xf32, #tpu.memory_space<vmem_shared>>) target_semaphore(%run_scoped3A : memref<!tpu.dma_semaphore, #tpu.memory_space<semaphore_mem>>)
        %dma_wait3A = arith.constant 9984 : i32
        %dma_wait3A_27 = arith.constant 0 : i32
        %dma_wait3A_28 = tpu.memref_slice %arg12[%dma_wait3A, %dma_wait3A_27] : memref<10000x128xf32, #tpu.memory_space<vmem_shared>> -> memref<16x128xf32, #tpu.memory_space<vmem_shared>>
        %dma_wait3A_29 = arith.constant 9984 : i32
        %dma_wait3A_30 = arith.constant 0 : i32
        %dma_wait3A_31 = tpu.memref_slice %arg6[%dma_wait3A_29, %dma_wait3A_30] : memref<10000x128xf32, #tpu.memory_space<hbm>> -> memref<16x128xf32, #tpu.memory_space<hbm>>
        tpu.wait_dma2 semaphore(%run_scoped3A : memref<!tpu.dma_semaphore, #tpu.memory_space<semaphore_mem>>) src(%dma_wait3A_31 : memref<16x128xf32, #tpu.memory_space<hbm>>) dst(%dma_wait3A_28 : memref<16x128xf32, #tpu.memory_space<vmem_shared>>)
        tpu.yield
      }) : () -> ()
    } else {
    }
    %barrier3A = arith.constant 0 : index
    tpu.barrier barrier_id(%barrier3A)
    %scan3A = arith.constant 0 : i32
    %scan3A_7 = arith.constant 0 : i32
    %scan3A_8 = arith.constant 125 : i32
    %scan3A_9 = arith.addi %scan3A_7, %scan3A_8 : i32
    %scan3A_10 = arith.constant 1 : i32
    scf.for %scan3A_22 = %scan3A_7 to %scan3A_9 step %scan3A_10  : i32 {
      %run_scoped3A = arith.constant 0 : i32
      "tpu.region"() ({
        %run_scoped3A_59 = tpu.sem_alloc : memref<!tpu.dma_semaphore, #tpu.memory_space<semaphore_mem>>
        %dma_start3A_60 = arith.constant 0 : i32
        %dma_start3A_61 = tpu.memref_slice %arg8[%run_scoped3A, %dma_start3A_60] : memref<1x80xi32, #tpu.memory_space<vmem>> -> memref<1x80xi32, #tpu.memory_space<vmem>>
        %dma_start3A_62 = tpu.memref_squeeze %dma_start3A_61 : memref<1x80xi32, #tpu.memory_space<vmem>> -> memref<80xi32, #tpu.memory_space<vmem>>
        %dma_start3A_63 = arith.constant 0 : i32
        %dma_start3A_64 = tpu.memref_slice %arg3[%add3A, %scan3A_22, %dma_start3A_63] : memref<32x125x80xi32, #tpu.memory_space<hbm>> -> memref<1x1x80xi32, #tpu.memory_space<hbm>>
        %dma_start3A_65 = tpu.memref_squeeze %dma_start3A_64 : memref<1x1x80xi32, #tpu.memory_space<hbm>> -> memref<80xi32, #tpu.memory_space<hbm>>
        %dma_start3A_66 = arith.constant 0 : i32
        %dma_start3A_67 = tpu.memref_slice %arg8[%run_scoped3A, %dma_start3A_66] : memref<1x80xi32, #tpu.memory_space<vmem>> -> memref<1x80xi32, #tpu.memory_space<vmem>>
        %dma_start3A_68 = tpu.memref_squeeze %dma_start3A_67 : memref<1x80xi32, #tpu.memory_space<vmem>> -> memref<80xi32, #tpu.memory_space<vmem>>
        %dma_start3A_69 = arith.constant 0 : i32
        %dma_start3A_70 = tpu.memref_slice %arg3[%add3A, %scan3A_22, %dma_start3A_69] : memref<32x125x80xi32, #tpu.memory_space<hbm>> -> memref<1x1x80xi32, #tpu.memory_space<hbm>>
        %dma_start3A_71 = tpu.memref_squeeze %dma_start3A_70 : memref<1x1x80xi32, #tpu.memory_space<hbm>> -> memref<80xi32, #tpu.memory_space<hbm>>
        tpu.enqueue_dma source(%dma_start3A_71 : memref<80xi32, #tpu.memory_space<hbm>>) target(%dma_start3A_68 : memref<80xi32, #tpu.memory_space<vmem>>) target_semaphore(%run_scoped3A_59 : memref<!tpu.dma_semaphore, #tpu.memory_space<semaphore_mem>>)
        %dma_wait3A_72 = arith.constant 0 : i32
        %dma_wait3A_73 = tpu.memref_slice %arg8[%run_scoped3A, %dma_wait3A_72] : memref<1x80xi32, #tpu.memory_space<vmem>> -> memref<1x80xi32, #tpu.memory_space<vmem>>
        %dma_wait3A_74 = tpu.memref_squeeze %dma_wait3A_73 : memref<1x80xi32, #tpu.memory_space<vmem>> -> memref<80xi32, #tpu.memory_space<vmem>>
        %dma_wait3A_75 = arith.constant 0 : i32
        %dma_wait3A_76 = tpu.memref_slice %arg3[%add3A, %scan3A_22, %dma_wait3A_75] : memref<32x125x80xi32, #tpu.memory_space<hbm>> -> memref<1x1x80xi32, #tpu.memory_space<hbm>>
        %dma_wait3A_77 = tpu.memref_squeeze %dma_wait3A_76 : memref<1x1x80xi32, #tpu.memory_space<hbm>> -> memref<80xi32, #tpu.memory_space<hbm>>
        %dma_wait3A_78 = arith.constant 0 : i32
        %dma_wait3A_79 = tpu.memref_slice %arg8[%run_scoped3A, %dma_wait3A_78] : memref<1x80xi32, #tpu.memory_space<vmem>> -> memref<1x80xi32, #tpu.memory_space<vmem>>
        %dma_wait3A_80 = tpu.memref_squeeze %dma_wait3A_79 : memref<1x80xi32, #tpu.memory_space<vmem>> -> memref<80xi32, #tpu.memory_space<vmem>>
        %dma_wait3A_81 = arith.constant 0 : i32
        %dma_wait3A_82 = tpu.memref_slice %arg3[%add3A, %scan3A_22, %dma_wait3A_81] : memref<32x125x80xi32, #tpu.memory_space<hbm>> -> memref<1x1x80xi32, #tpu.memory_space<hbm>>
        %dma_wait3A_83 = tpu.memref_squeeze %dma_wait3A_82 : memref<1x1x80xi32, #tpu.memory_space<hbm>> -> memref<80xi32, #tpu.memory_space<hbm>>
        tpu.wait_dma2 semaphore(%run_scoped3A_59 : memref<!tpu.dma_semaphore, #tpu.memory_space<semaphore_mem>>) src(%dma_wait3A_83 : memref<80xi32, #tpu.memory_space<hbm>>) dst(%dma_wait3A_80 : memref<80xi32, #tpu.memory_space<vmem>>)
        tpu.yield
      }) : () -> ()
      %run_scoped3A_23 = arith.constant 0 : i32
      "tpu.region"() ({
        %run_scoped3A_59 = tpu.sem_alloc : memref<!tpu.dma_semaphore, #tpu.memory_space<semaphore_mem>>
        %dma_start3A_60 = arith.constant 0 : i32
        %dma_start3A_61 = tpu.memref_slice %arg9[%run_scoped3A_23, %dma_start3A_60] : memref<1x80xi32, #tpu.memory_space<vmem>> -> memref<1x80xi32, #tpu.memory_space<vmem>>
        %dma_start3A_62 = tpu.memref_squeeze %dma_start3A_61 : memref<1x80xi32, #tpu.memory_space<vmem>> -> memref<80xi32, #tpu.memory_space<vmem>>
        %dma_start3A_63 = arith.constant 0 : i32
        %dma_start3A_64 = tpu.memref_slice %arg4[%add3A, %scan3A_22, %dma_start3A_63] : memref<32x125x80xi32, #tpu.memory_space<hbm>> -> memref<1x1x80xi32, #tpu.memory_space<hbm>>
        %dma_start3A_65 = tpu.memref_squeeze %dma_start3A_64 : memref<1x1x80xi32, #tpu.memory_space<hbm>> -> memref<80xi32, #tpu.memory_space<hbm>>
        %dma_start3A_66 = arith.constant 0 : i32
        %dma_start3A_67 = tpu.memref_slice %arg9[%run_scoped3A_23, %dma_start3A_66] : memref<1x80xi32, #tpu.memory_space<vmem>> -> memref<1x80xi32, #tpu.memory_space<vmem>>
        %dma_start3A_68 = tpu.memref_squeeze %dma_start3A_67 : memref<1x80xi32, #tpu.memory_space<vmem>> -> memref<80xi32, #tpu.memory_space<vmem>>
        %dma_start3A_69 = arith.constant 0 : i32
        %dma_start3A_70 = tpu.memref_slice %arg4[%add3A, %scan3A_22, %dma_start3A_69] : memref<32x125x80xi32, #tpu.memory_space<hbm>> -> memref<1x1x80xi32, #tpu.memory_space<hbm>>
        %dma_start3A_71 = tpu.memref_squeeze %dma_start3A_70 : memref<1x1x80xi32, #tpu.memory_space<hbm>> -> memref<80xi32, #tpu.memory_space<hbm>>
        tpu.enqueue_dma source(%dma_start3A_71 : memref<80xi32, #tpu.memory_space<hbm>>) target(%dma_start3A_68 : memref<80xi32, #tpu.memory_space<vmem>>) target_semaphore(%run_scoped3A_59 : memref<!tpu.dma_semaphore, #tpu.memory_space<semaphore_mem>>)
        %dma_wait3A_72 = arith.constant 0 : i32
        %dma_wait3A_73 = tpu.memref_slice %arg9[%run_scoped3A_23, %dma_wait3A_72] : memref<1x80xi32, #tpu.memory_space<vmem>> -> memref<1x80xi32, #tpu.memory_space<vmem>>
        %dma_wait3A_74 = tpu.memref_squeeze %dma_wait3A_73 : memref<1x80xi32, #tpu.memory_space<vmem>> -> memref<80xi32, #tpu.memory_space<vmem>>
        %dma_wait3A_75 = arith.constant 0 : i32
        %dma_wait3A_76 = tpu.memref_slice %arg4[%add3A, %scan3A_22, %dma_wait3A_75] : memref<32x125x80xi32, #tpu.memory_space<hbm>> -> memref<1x1x80xi32, #tpu.memory_space<hbm>>
        %dma_wait3A_77 = tpu.memref_squeeze %dma_wait3A_76 : memref<1x1x80xi32, #tpu.memory_space<hbm>> -> memref<80xi32, #tpu.memory_space<hbm>>
        %dma_wait3A_78 = arith.constant 0 : i32
        %dma_wait3A_79 = tpu.memref_slice %arg9[%run_scoped3A_23, %dma_wait3A_78] : memref<1x80xi32, #tpu.memory_space<vmem>> -> memref<1x80xi32, #tpu.memory_space<vmem>>
        %dma_wait3A_80 = tpu.memref_squeeze %dma_wait3A_79 : memref<1x80xi32, #tpu.memory_space<vmem>> -> memref<80xi32, #tpu.memory_space<vmem>>
        %dma_wait3A_81 = arith.constant 0 : i32
        %dma_wait3A_82 = tpu.memref_slice %arg4[%add3A, %scan3A_22, %dma_wait3A_81] : memref<32x125x80xi32, #tpu.memory_space<hbm>> -> memref<1x1x80xi32, #tpu.memory_space<hbm>>
        %dma_wait3A_83 = tpu.memref_squeeze %dma_wait3A_82 : memref<1x1x80xi32, #tpu.memory_space<hbm>> -> memref<80xi32, #tpu.memory_space<hbm>>
        tpu.wait_dma2 semaphore(%run_scoped3A_59 : memref<!tpu.dma_semaphore, #tpu.memory_space<semaphore_mem>>) src(%dma_wait3A_83 : memref<80xi32, #tpu.memory_space<hbm>>) dst(%dma_wait3A_80 : memref<80xi32, #tpu.memory_space<vmem>>)
        tpu.yield
      }) : () -> ()
      %dma_start3A = arith.constant 0 : i32
      %dma_start3A_24 = arith.constant 0 : i32
      %dma_start3A_25 = tpu.memref_slice %arg8[%dma_start3A, %dma_start3A_24] : memref<1x80xi32, #tpu.memory_space<vmem>> -> memref<1x80xi32, #tpu.memory_space<vmem>>
      %dma_start3A_26 = tpu.memref_squeeze %dma_start3A_25 : memref<1x80xi32, #tpu.memory_space<vmem>> -> memref<80xi32, #tpu.memory_space<vmem>>
      %dma_start3A_27 = arith.constant 0 : i32
      %dma_start3A_28 = arith.constant 0 : i32
      %dma_start3A_29 = tpu.memref_slice %arg2[%dma_start3A_27, %dma_start3A_28] : memref<10000x128xf32, #tpu.memory_space<hbm>> -> memref<10000x128xf32, #tpu.memory_space<hbm>>
      tpu.enqueue_indirect_dma source(%dma_start3A_29 : memref<10000x128xf32, #tpu.memory_space<hbm>>) target(%arg10 : memref<80x128xf32, #tpu.memory_space<vmem>>) offsets(%dma_start3A_26 : memref<80xi32, #tpu.memory_space<vmem>>) semaphore(%arg13 : memref<!tpu.dma_semaphore, #tpu.memory_space<semaphore_mem>>)
      %dma_start3A_30 = arith.constant 0 : i32
      %dma_start3A_31 = arith.constant 0 : i32
      %dma_start3A_32 = tpu.memref_slice %arg5[%add3A, %scan3A_22, %dma_start3A_30, %dma_start3A_31] : memref<32x125x80x128xf32, #tpu.memory_space<hbm>> -> memref<1x1x80x128xf32, #tpu.memory_space<hbm>>
      %dma_start3A_33 = tpu.memref_squeeze %dma_start3A_32 : memref<1x1x80x128xf32, #tpu.memory_space<hbm>> -> memref<80x128xf32, #tpu.memory_space<hbm>>
      %dma_start3A_34 = arith.constant 0 : i32
      %dma_start3A_35 = arith.constant 0 : i32
      %dma_start3A_36 = tpu.memref_slice %arg5[%add3A, %scan3A_22, %dma_start3A_34, %dma_start3A_35] : memref<32x125x80x128xf32, #tpu.memory_space<hbm>> -> memref<1x1x80x128xf32, #tpu.memory_space<hbm>>
      %dma_start3A_37 = tpu.memref_squeeze %dma_start3A_36 : memref<1x1x80x128xf32, #tpu.memory_space<hbm>> -> memref<80x128xf32, #tpu.memory_space<hbm>>
      tpu.enqueue_dma source(%dma_start3A_37 : memref<80x128xf32, #tpu.memory_space<hbm>>) target(%arg11 : memref<80x128xf32, #tpu.memory_space<vmem>>) target_semaphore(%arg14 : memref<!tpu.dma_semaphore, #tpu.memory_space<semaphore_mem>>)
      %dma_wait3A = arith.constant 0 : i32
      %dma_wait3A_38 = arith.constant 0 : i32
      %dma_wait3A_39 = tpu.memref_slice %arg8[%dma_wait3A, %dma_wait3A_38] : memref<1x80xi32, #tpu.memory_space<vmem>> -> memref<1x80xi32, #tpu.memory_space<vmem>>
      %dma_wait3A_40 = tpu.memref_squeeze %dma_wait3A_39 : memref<1x80xi32, #tpu.memory_space<vmem>> -> memref<80xi32, #tpu.memory_space<vmem>>
      %dma_wait3A_41 = arith.constant 0 : i32
      %dma_wait3A_42 = arith.constant 0 : i32
      %dma_wait3A_43 = tpu.memref_slice %arg2[%dma_wait3A_41, %dma_wait3A_42] : memref<10000x128xf32, #tpu.memory_space<hbm>> -> memref<10000x128xf32, #tpu.memory_space<hbm>>
      tpu.wait_indirect_dma semaphore(%arg13 : memref<!tpu.dma_semaphore, #tpu.memory_space<semaphore_mem>>) src(%dma_wait3A_43 : memref<10000x128xf32, #tpu.memory_space<hbm>>) dst(%arg10 : memref<80x128xf32, #tpu.memory_space<vmem>>)
      %dma_wait3A_44 = arith.constant 0 : i32
      %dma_wait3A_45 = arith.constant 0 : i32
      %dma_wait3A_46 = tpu.memref_slice %arg5[%add3A, %scan3A_22, %dma_wait3A_44, %dma_wait3A_45] : memref<32x125x80x128xf32, #tpu.memory_space<hbm>> -> memref<1x1x80x128xf32, #tpu.memory_space<hbm>>
      %dma_wait3A_47 = tpu.memref_squeeze %dma_wait3A_46 : memref<1x1x80x128xf32, #tpu.memory_space<hbm>> -> memref<80x128xf32, #tpu.memory_space<hbm>>
      %dma_wait3A_48 = arith.constant 0 : i32
      %dma_wait3A_49 = arith.constant 0 : i32
      %dma_wait3A_50 = tpu.memref_slice %arg5[%add3A, %scan3A_22, %dma_wait3A_48, %dma_wait3A_49] : memref<32x125x80x128xf32, #tpu.memory_space<hbm>> -> memref<1x1x80x128xf32, #tpu.memory_space<hbm>>
      %dma_wait3A_51 = tpu.memref_squeeze %dma_wait3A_50 : memref<1x1x80x128xf32, #tpu.memory_space<hbm>> -> memref<80x128xf32, #tpu.memory_space<hbm>>
      tpu.wait_dma2 semaphore(%arg14 : memref<!tpu.dma_semaphore, #tpu.memory_space<semaphore_mem>>) src(%dma_wait3A_51 : memref<80x128xf32, #tpu.memory_space<hbm>>) dst(%arg11 : memref<80x128xf32, #tpu.memory_space<vmem>>)
      %scan3A_52 = arith.constant 0 : i32
      %scan3A_53 = arith.constant 0 : i32
      %scan3A_54 = arith.constant 80 : i32
      %scan3A_55 = arith.addi %scan3A_53, %scan3A_54 : i32
      %scan3A_56 = arith.constant 1 : i32
      scf.for %scan3A_59 = %scan3A_53 to %scan3A_55 step %scan3A_56  : i32 {
        %get3A = arith.index_cast %scan3A_59 : i32 to index
        %get3A_60 = arith.constant 0 : index
        %get3A_61 = tpu.vector_load %arg10[%get3A, %get3A_60] {strides = array<i32>} : memref<80x128xf32, #tpu.memory_space<vmem>>, vector<1x16xf32>,
        %get3A_62 = vector.shape_cast %get3A_61 : vector<1x16xf32> to vector<16xf32>
        %get3A_63 = arith.index_cast %scan3A_59 : i32 to index
        %get3A_64 = arith.constant 0 : index
        %get3A_65 = tpu.vector_load %arg11[%get3A_63, %get3A_64] {strides = array<i32>} : memref<80x128xf32, #tpu.memory_space<vmem>>, vector<1x16xf32>,
        %get3A_66 = vector.shape_cast %get3A_65 : vector<1x16xf32> to vector<16xf32>
        %add3A_67 = arith.addf %get3A_62, %get3A_66 : vector<16xf32>
        %max3A = arith.constant 0.000000e+00 : f32
        %max3A_68 = vector.broadcast %max3A : f32 to vector<16xf32>
        %max3A_69 = arith.maximumf %add3A_67, %max3A_68 : vector<16xf32>
        %swap3A = arith.index_cast %scan3A_59 : i32 to index
        %swap3A_70 = arith.constant 0 : index
        %swap3A_71 = tpu.vector_load %arg10[%swap3A, %swap3A_70] {strides = array<i32>} : memref<80x128xf32, #tpu.memory_space<vmem>>, vector<1x16xf32>,
        %swap3A_72 = vector.shape_cast %swap3A_71 : vector<1x16xf32> to vector<16xf32>
        %swap3A_73 = vector.shape_cast %max3A_69 : vector<16xf32> to vector<1x16xf32>
        tpu.vector_store %arg10[%swap3A, %swap3A_70], %swap3A_73 {strides = array<i32>} : memref<80x128xf32, #tpu.memory_space<vmem>>, vector<1x16xf32>,
        %get3A_74 = arith.index_cast %scan3A_59 : i32 to index
        %get3A_75 = arith.constant 16 : index
        %get3A_76 = tpu.vector_load %arg10[%get3A_74, %get3A_75] {strides = array<i32>} : memref<80x128xf32, #tpu.memory_space<vmem>>, vector<1x16xf32>,
        %get3A_77 = vector.shape_cast %get3A_76 : vector<1x16xf32> to vector<16xf32>
        %get3A_78 = arith.index_cast %scan3A_59 : i32 to index
        %get3A_79 = arith.constant 16 : index
        %get3A_80 = tpu.vector_load %arg11[%get3A_78, %get3A_79] {strides = array<i32>} : memref<80x128xf32, #tpu.memory_space<vmem>>, vector<1x16xf32>,
        %get3A_81 = vector.shape_cast %get3A_80 : vector<1x16xf32> to vector<16xf32>
        %add3A_82 = arith.addf %get3A_77, %get3A_81 : vector<16xf32>
        %max3A_83 = arith.constant 0.000000e+00 : f32
        %max3A_84 = vector.broadcast %max3A_83 : f32 to vector<16xf32>
        %max3A_85 = arith.maximumf %add3A_82, %max3A_84 : vector<16xf32>
        %swap3A_86 = arith.index_cast %scan3A_59 : i32 to index
        %swap3A_87 = arith.constant 16 : index
        %swap3A_88 = tpu.vector_load %arg10[%swap3A_86, %swap3A_87] {strides = array<i32>} : memref<80x128xf32, #tpu.memory_space<vmem>>, vector<1x16xf32>,
        %swap3A_89 = vector.shape_cast %swap3A_88 : vector<1x16xf32> to vector<16xf32>
        %swap3A_90 = vector.shape_cast %max3A_85 : vector<16xf32> to vector<1x16xf32>
        tpu.vector_store %arg10[%swap3A_86, %swap3A_87], %swap3A_90 {strides = array<i32>} : memref<80x128xf32, #tpu.memory_space<vmem>>, vector<1x16xf32>,
        %get3A_91 = arith.index_cast %scan3A_59 : i32 to index
        %get3A_92 = arith.constant 32 : index
        %get3A_93 = tpu.vector_load %arg10[%get3A_91, %get3A_92] {strides = array<i32>} : memref<80x128xf32, #tpu.memory_space<vmem>>, vector<1x16xf32>,
        %get3A_94 = vector.shape_cast %get3A_93 : vector<1x16xf32> to vector<16xf32>
        %get3A_95 = arith.index_cast %scan3A_59 : i32 to index
        %get3A_96 = arith.constant 32 : index
        %get3A_97 = tpu.vector_load %arg11[%get3A_95, %get3A_96] {strides = array<i32>} : memref<80x128xf32, #tpu.memory_space<vmem>>, vector<1x16xf32>,
        %get3A_98 = vector.shape_cast %get3A_97 : vector<1x16xf32> to vector<16xf32>
        %add3A_99 = arith.addf %get3A_94, %get3A_98 : vector<16xf32>
        %max3A_100 = arith.constant 0.000000e+00 : f32
        %max3A_101 = vector.broadcast %max3A_100 : f32 to vector<16xf32>
        %max3A_102 = arith.maximumf %add3A_99, %max3A_101 : vector<16xf32>
        %swap3A_103 = arith.index_cast %scan3A_59 : i32 to index
        %swap3A_104 = arith.constant 32 : index
        %swap3A_105 = tpu.vector_load %arg10[%swap3A_103, %swap3A_104] {strides = array<i32>} : memref<80x128xf32, #tpu.memory_space<vmem>>, vector<1x16xf32>,
        %swap3A_106 = vector.shape_cast %swap3A_105 : vector<1x16xf32> to vector<16xf32>
        %swap3A_107 = vector.shape_cast %max3A_102 : vector<16xf32> to vector<1x16xf32>
        tpu.vector_store %arg10[%swap3A_103, %swap3A_104], %swap3A_107 {strides = array<i32>} : memref<80x128xf32, #tpu.memory_space<vmem>>, vector<1x16xf32>,
        %get3A_108 = arith.index_cast %scan3A_59 : i32 to index
        %get3A_109 = arith.constant 48 : index
        %get3A_110 = tpu.vector_load %arg10[%get3A_108, %get3A_109] {strides = array<i32>} : memref<80x128xf32, #tpu.memory_space<vmem>>, vector<1x16xf32>,
        %get3A_111 = vector.shape_cast %get3A_110 : vector<1x16xf32> to vector<16xf32>
        %get3A_112 = arith.index_cast %scan3A_59 : i32 to index
        %get3A_113 = arith.constant 48 : index
        %get3A_114 = tpu.vector_load %arg11[%get3A_112, %get3A_113] {strides = array<i32>} : memref<80x128xf32, #tpu.memory_space<vmem>>, vector<1x16xf32>,
        %get3A_115 = vector.shape_cast %get3A_114 : vector<1x16xf32> to vector<16xf32>
        %add3A_116 = arith.addf %get3A_111, %get3A_115 : vector<16xf32>
        %max3A_117 = arith.constant 0.000000e+00 : f32
        %max3A_118 = vector.broadcast %max3A_117 : f32 to vector<16xf32>
        %max3A_119 = arith.maximumf %add3A_116, %max3A_118 : vector<16xf32>
        %swap3A_120 = arith.index_cast %scan3A_59 : i32 to index
        %swap3A_121 = arith.constant 48 : index
        %swap3A_122 = tpu.vector_load %arg10[%swap3A_120, %swap3A_121] {strides = array<i32>} : memref<80x128xf32, #tpu.memory_space<vmem>>, vector<1x16xf32>,
        %swap3A_123 = vector.shape_cast %swap3A_122 : vector<1x16xf32> to vector<16xf32>
        %swap3A_124 = vector.shape_cast %max3A_119 : vector<16xf32> to vector<1x16xf32>
        tpu.vector_store %arg10[%swap3A_120, %swap3A_121], %swap3A_124 {strides = array<i32>} : memref<80x128xf32, #tpu.memory_space<vmem>>, vector<1x16xf32>,
        %get3A_125 = arith.index_cast %scan3A_59 : i32 to index
        %get3A_126 = arith.constant 64 : index
        %get3A_127 = tpu.vector_load %arg10[%get3A_125, %get3A_126] {strides = array<i32>} : memref<80x128xf32, #tpu.memory_space<vmem>>, vector<1x16xf32>,
        %get3A_128 = vector.shape_cast %get3A_127 : vector<1x16xf32> to vector<16xf32>
        %get3A_129 = arith.index_cast %scan3A_59 : i32 to index
        %get3A_130 = arith.constant 64 : index
        %get3A_131 = tpu.vector_load %arg11[%get3A_129, %get3A_130] {strides = array<i32>} : memref<80x128xf32, #tpu.memory_space<vmem>>, vector<1x16xf32>,
        %get3A_132 = vector.shape_cast %get3A_131 : vector<1x16xf32> to vector<16xf32>
        %add3A_133 = arith.addf %get3A_128, %get3A_132 : vector<16xf32>
        %max3A_134 = arith.constant 0.000000e+00 : f32
        %max3A_135 = vector.broadcast %max3A_134 : f32 to vector<16xf32>
        %max3A_136 = arith.maximumf %add3A_133, %max3A_135 : vector<16xf32>
        %swap3A_137 = arith.index_cast %scan3A_59 : i32 to index
        %swap3A_138 = arith.constant 64 : index
        %swap3A_139 = tpu.vector_load %arg10[%swap3A_137, %swap3A_138] {strides = array<i32>} : memref<80x128xf32, #tpu.memory_space<vmem>>, vector<1x16xf32>,
        %swap3A_140 = vector.shape_cast %swap3A_139 : vector<1x16xf32> to vector<16xf32>
        %swap3A_141 = vector.shape_cast %max3A_136 : vector<16xf32> to vector<1x16xf32>
        tpu.vector_store %arg10[%swap3A_137, %swap3A_138], %swap3A_141 {strides = array<i32>} : memref<80x128xf32, #tpu.memory_space<vmem>>, vector<1x16xf32>,
        %get3A_142 = arith.index_cast %scan3A_59 : i32 to index
        %get3A_143 = arith.constant 80 : index
        %get3A_144 = tpu.vector_load %arg10[%get3A_142, %get3A_143] {strides = array<i32>} : memref<80x128xf32, #tpu.memory_space<vmem>>, vector<1x16xf32>,
        %get3A_145 = vector.shape_cast %get3A_144 : vector<1x16xf32> to vector<16xf32>
        %get3A_146 = arith.index_cast %scan3A_59 : i32 to index
        %get3A_147 = arith.constant 80 : index
        %get3A_148 = tpu.vector_load %arg11[%get3A_146, %get3A_147] {strides = array<i32>} : memref<80x128xf32, #tpu.memory_space<vmem>>, vector<1x16xf32>,
        %get3A_149 = vector.shape_cast %get3A_148 : vector<1x16xf32> to vector<16xf32>
        %add3A_150 = arith.addf %get3A_145, %get3A_149 : vector<16xf32>
        %max3A_151 = arith.constant 0.000000e+00 : f32
        %max3A_152 = vector.broadcast %max3A_151 : f32 to vector<16xf32>
        %max3A_153 = arith.maximumf %add3A_150, %max3A_152 : vector<16xf32>
        %swap3A_154 = arith.index_cast %scan3A_59 : i32 to index
        %swap3A_155 = arith.constant 80 : index
        %swap3A_156 = tpu.vector_load %arg10[%swap3A_154, %swap3A_155] {strides = array<i32>} : memref<80x128xf32, #tpu.memory_space<vmem>>, vector<1x16xf32>,
        %swap3A_157 = vector.shape_cast %swap3A_156 : vector<1x16xf32> to vector<16xf32>
        %swap3A_158 = vector.shape_cast %max3A_153 : vector<16xf32> to vector<1x16xf32>
        tpu.vector_store %arg10[%swap3A_154, %swap3A_155], %swap3A_158 {strides = array<i32>} : memref<80x128xf32, #tpu.memory_space<vmem>>, vector<1x16xf32>,
        %get3A_159 = arith.index_cast %scan3A_59 : i32 to index
        %get3A_160 = arith.constant 96 : index
        %get3A_161 = tpu.vector_load %arg10[%get3A_159, %get3A_160] {strides = array<i32>} : memref<80x128xf32, #tpu.memory_space<vmem>>, vector<1x16xf32>,
        %get3A_162 = vector.shape_cast %get3A_161 : vector<1x16xf32> to vector<16xf32>
        %get3A_163 = arith.index_cast %scan3A_59 : i32 to index
        %get3A_164 = arith.constant 96 : index
        %get3A_165 = tpu.vector_load %arg11[%get3A_163, %get3A_164] {strides = array<i32>} : memref<80x128xf32, #tpu.memory_space<vmem>>, vector<1x16xf32>,
        %get3A_166 = vector.shape_cast %get3A_165 : vector<1x16xf32> to vector<16xf32>
        %add3A_167 = arith.addf %get3A_162, %get3A_166 : vector<16xf32>
        %max3A_168 = arith.constant 0.000000e+00 : f32
        %max3A_169 = vector.broadcast %max3A_168 : f32 to vector<16xf32>
        %max3A_170 = arith.maximumf %add3A_167, %max3A_169 : vector<16xf32>
        %swap3A_171 = arith.index_cast %scan3A_59 : i32 to index
        %swap3A_172 = arith.constant 96 : index
        %swap3A_173 = tpu.vector_load %arg10[%swap3A_171, %swap3A_172] {strides = array<i32>} : memref<80x128xf32, #tpu.memory_space<vmem>>, vector<1x16xf32>,
        %swap3A_174 = vector.shape_cast %swap3A_173 : vector<1x16xf32> to vector<16xf32>
        %swap3A_175 = vector.shape_cast %max3A_170 : vector<16xf32> to vector<1x16xf32>
        tpu.vector_store %arg10[%swap3A_171, %swap3A_172], %swap3A_175 {strides = array<i32>} : memref<80x128xf32, #tpu.memory_space<vmem>>, vector<1x16xf32>,
        %get3A_176 = arith.index_cast %scan3A_59 : i32 to index
        %get3A_177 = arith.constant 112 : index
        %get3A_178 = tpu.vector_load %arg10[%get3A_176, %get3A_177] {strides = array<i32>} : memref<80x128xf32, #tpu.memory_space<vmem>>, vector<1x16xf32>,
        %get3A_179 = vector.shape_cast %get3A_178 : vector<1x16xf32> to vector<16xf32>
        %get3A_180 = arith.index_cast %scan3A_59 : i32 to index
        %get3A_181 = arith.constant 112 : index
        %get3A_182 = tpu.vector_load %arg11[%get3A_180, %get3A_181] {strides = array<i32>} : memref<80x128xf32, #tpu.memory_space<vmem>>, vector<1x16xf32>,
        %get3A_183 = vector.shape_cast %get3A_182 : vector<1x16xf32> to vector<16xf32>
        %add3A_184 = arith.addf %get3A_179, %get3A_183 : vector<16xf32>
        %max3A_185 = arith.constant 0.000000e+00 : f32
        %max3A_186 = vector.broadcast %max3A_185 : f32 to vector<16xf32>
        %max3A_187 = arith.maximumf %add3A_184, %max3A_186 : vector<16xf32>
        %swap3A_188 = arith.index_cast %scan3A_59 : i32 to index
        %swap3A_189 = arith.constant 112 : index
        %swap3A_190 = tpu.vector_load %arg10[%swap3A_188, %swap3A_189] {strides = array<i32>} : memref<80x128xf32, #tpu.memory_space<vmem>>, vector<1x16xf32>,
        %swap3A_191 = vector.shape_cast %swap3A_190 : vector<1x16xf32> to vector<16xf32>
        %swap3A_192 = vector.shape_cast %max3A_187 : vector<16xf32> to vector<1x16xf32>
        tpu.vector_store %arg10[%swap3A_188, %swap3A_189], %swap3A_192 {strides = array<i32>} : memref<80x128xf32, #tpu.memory_space<vmem>>, vector<1x16xf32>,
      }
      %scan3A_57 = arith.constant 80 : i32
      %run_scoped3A_58 = arith.constant 0 : i32
      "tpu.region"() ({
        %run_scoped3A_59 = tpu.sem_alloc : memref<!tpu.dma_semaphore, #tpu.memory_space<semaphore_mem>>
        %dma_start3A_60 = arith.constant 0 : i32
        %dma_start3A_61 = tpu.memref_slice %arg9[%run_scoped3A_58, %dma_start3A_60] : memref<1x80xi32, #tpu.memory_space<vmem>> -> memref<1x80xi32, #tpu.memory_space<vmem>>
        %dma_start3A_62 = tpu.memref_squeeze %dma_start3A_61 : memref<1x80xi32, #tpu.memory_space<vmem>> -> memref<80xi32, #tpu.memory_space<vmem>>
        %dma_start3A_63 = arith.constant 0 : i32
        %dma_start3A_64 = arith.constant 0 : i32
        %dma_start3A_65 = tpu.memref_slice %arg12[%dma_start3A_63, %dma_start3A_64] : memref<10000x128xf32, #tpu.memory_space<vmem_shared>> -> memref<10000x128xf32, #tpu.memory_space<vmem_shared>>
        tpu.enqueue_indirect_dma source(%arg10 : memref<80x128xf32, #tpu.memory_space<vmem>>) target(%dma_start3A_65 : memref<10000x128xf32, #tpu.memory_space<vmem_shared>>) offsets(%dma_start3A_62 : memref<80xi32, #tpu.memory_space<vmem>>) semaphore(%run_scoped3A_59 : memref<!tpu.dma_semaphore, #tpu.memory_space<semaphore_mem>>) {add = true}
        %dma_wait3A_66 = arith.constant 0 : i32
        %dma_wait3A_67 = tpu.memref_slice %arg9[%run_scoped3A_58, %dma_wait3A_66] : memref<1x80xi32, #tpu.memory_space<vmem>> -> memref<1x80xi32, #tpu.memory_space<vmem>>
        %dma_wait3A_68 = tpu.memref_squeeze %dma_wait3A_67 : memref<1x80xi32, #tpu.memory_space<vmem>> -> memref<80xi32, #tpu.memory_space<vmem>>
        %dma_wait3A_69 = arith.constant 0 : i32
        %dma_wait3A_70 = arith.constant 0 : i32
        %dma_wait3A_71 = tpu.memref_slice %arg12[%dma_wait3A_69, %dma_wait3A_70] : memref<10000x128xf32, #tpu.memory_space<vmem_shared>> -> memref<10000x128xf32, #tpu.memory_space<vmem_shared>>
        tpu.wait_indirect_dma semaphore(%run_scoped3A_59 : memref<!tpu.dma_semaphore, #tpu.memory_space<semaphore_mem>>) src(%arg10 : memref<80x128xf32, #tpu.memory_space<vmem>>) dst(%dma_wait3A_71 : memref<10000x128xf32, #tpu.memory_space<vmem_shared>>)
        tpu.yield
      }) : () -> ()
    }
    %scan3A_11 = arith.constant 125 : i32
    %barrier3A_12 = arith.constant 0 : index
    tpu.barrier barrier_id(%barrier3A_12)
    %mul3A_13 = arith.constant 624 : i32
    %mul3A_14 = arith.muli %arg1, %mul3A_13 : i32
    %mul3A_15 = arith.constant 624 : i32
    %mul3A_16 = arith.muli %arg1, %mul3A_15 : i32
    "tpu.region"() ({
      %run_scoped3A = tpu.sem_alloc : memref<!tpu.dma_semaphore, #tpu.memory_space<semaphore_mem>>
      %dma_start3A = arith.constant 0 : i32
      %dma_start3A_22 = tpu.memref_slice %arg7[%arg0, %mul3A_16, %dma_start3A] : memref<2x10000x128xf32, #tpu.memory_space<hbm>> -> memref<1x624x128xf32, #tpu.memory_space<hbm>>
      %dma_start3A_23 = tpu.memref_squeeze %dma_start3A_22 : memref<1x624x128xf32, #tpu.memory_space<hbm>> -> memref<624x128xf32, #tpu.memory_space<hbm>>
      %dma_start3A_24 = arith.constant 0 : i32
      %dma_start3A_25 = tpu.memref_slice %arg12[%mul3A_14, %dma_start3A_24] : memref<10000x128xf32, #tpu.memory_space<vmem_shared>> -> memref<624x128xf32, #tpu.memory_space<vmem_shared>>
      tpu.enqueue_dma source(%dma_start3A_25 : memref<624x128xf32, #tpu.memory_space<vmem_shared>>) target(%dma_start3A_23 : memref<624x128xf32, #tpu.memory_space<hbm>>) target_semaphore(%run_scoped3A : memref<!tpu.dma_semaphore, #tpu.memory_space<semaphore_mem>>)
      %dma_wait3A = arith.constant 0 : i32
      %dma_wait3A_26 = tpu.memref_slice %arg7[%arg0, %mul3A_16, %dma_wait3A] : memref<2x10000x128xf32, #tpu.memory_space<hbm>> -> memref<1x624x128xf32, #tpu.memory_space<hbm>>
      %dma_wait3A_27 = tpu.memref_squeeze %dma_wait3A_26 : memref<1x624x128xf32, #tpu.memory_space<hbm>> -> memref<624x128xf32, #tpu.memory_space<hbm>>
      %dma_wait3A_28 = arith.constant 0 : i32
      %dma_wait3A_29 = tpu.memref_slice %arg12[%mul3A_14, %dma_wait3A_28] : memref<10000x128xf32, #tpu.memory_space<vmem_shared>> -> memref<624x128xf32, #tpu.memory_space<vmem_shared>>
      tpu.wait_dma2 semaphore(%run_scoped3A : memref<!tpu.dma_semaphore, #tpu.memory_space<semaphore_mem>>) src(%dma_wait3A_29 : memref<624x128xf32, #tpu.memory_space<vmem_shared>>) dst(%dma_wait3A_27 : memref<624x128xf32, #tpu.memory_space<hbm>>)
      tpu.yield
    }) : () -> ()
    %eq3A_17 = arith.constant 0 : i32
    %eq3A_18 = arith.cmpi eq, %arg1, %eq3A_17 : i32
    %convert_element_type3A_19 = arith.extui %eq3A_18 : i1 to i32
    %cond3A_20 = arith.constant 0 : i32
    %cond3A_21 = arith.cmpi ne, %convert_element_type3A_19, %cond3A_20 : i32
    scf.if %cond3A_21 {
      "tpu.region"() ({
        %run_scoped3A = tpu.sem_alloc : memref<!tpu.dma_semaphore, #tpu.memory_space<semaphore_mem>>
        %dma_start3A = arith.constant 9984 : i32
        %dma_start3A_22 = arith.constant 0 : i32
        %dma_start3A_23 = tpu.memref_slice %arg7[%arg0, %dma_start3A, %dma_start3A_22] : memref<2x10000x128xf32, #tpu.memory_space<hbm>> -> memref<1x16x128xf32, #tpu.memory_space<hbm>>
        %dma_start3A_24 = tpu.memref_squeeze %dma_start3A_23 : memref<1x16x128xf32, #tpu.memory_space<hbm>> -> memref<16x128xf32, #tpu.memory_space<hbm>>
        %dma_start3A_25 = arith.constant 9984 : i32
        %dma_start3A_26 = arith.constant 0 : i32
        %dma_start3A_27 = tpu.memref_slice %arg12[%dma_start3A_25, %dma_start3A_26] : memref<10000x128xf32, #tpu.memory_space<vmem_shared>> -> memref<16x128xf32, #tpu.memory_space<vmem_shared>>
        tpu.enqueue_dma source(%dma_start3A_27 : memref<16x128xf32, #tpu.memory_space<vmem_shared>>) target(%dma_start3A_24 : memref<16x128xf32, #tpu.memory_space<hbm>>) target_semaphore(%run_scoped3A : memref<!tpu.dma_semaphore, #tpu.memory_space<semaphore_mem>>)
        %dma_wait3A = arith.constant 9984 : i32
        %dma_wait3A_28 = arith.constant 0 : i32
        %dma_wait3A_29 = tpu.memref_slice %arg7[%arg0, %dma_wait3A, %dma_wait3A_28] : memref<2x10000x128xf32, #tpu.memory_space<hbm>> -> memref<1x16x128xf32, #tpu.memory_space<hbm>>
        %dma_wait3A_30 = tpu.memref_squeeze %dma_wait3A_29 : memref<1x16x128xf32, #tpu.memory_space<hbm>> -> memref<16x128xf32, #tpu.memory_space<hbm>>
        %dma_wait3A_31 = arith.constant 9984 : i32
        %dma_wait3A_32 = arith.constant 0 : i32
        %dma_wait3A_33 = tpu.memref_slice %arg12[%dma_wait3A_31, %dma_wait3A_32] : memref<10000x128xf32, #tpu.memory_space<vmem_shared>> -> memref<16x128xf32, #tpu.memory_space<vmem_shared>>
        tpu.wait_dma2 semaphore(%run_scoped3A : memref<!tpu.dma_semaphore, #tpu.memory_space<semaphore_mem>>) src(%dma_wait3A_33 : memref<16x128xf32, #tpu.memory_space<vmem_shared>>) dst(%dma_wait3A_30 : memref<16x128xf32, #tpu.memory_space<hbm>>)
        tpu.yield
      }) : () -> ()
    } else {
    }
    return
  }
}

module attributes {stable_mosaic.version = 14 : i64} {
  func.func @_passA_body(%arg0: i32, %arg1: memref<1x1xf32, #tpu.memory_space<vmem>>, %arg2: memref<400x128xf32, #tpu.memory_space<vmem>>, %arg3: memref<400x128xf32, #tpu.memory_space<vmem>>, %arg4: memref<400x128xf32, #tpu.memory_space<vmem>>, %arg5: memref<400x128xf32, #tpu.memory_space<vmem>>, %arg6: memref<128x128xf32, #tpu.memory_space<vmem>>, %arg7: memref<1x128xf32, #tpu.memory_space<vmem>>, %arg8: memref<128x128xf32, #tpu.memory_space<vmem>>, %arg9: memref<1x128xf32, #tpu.memory_space<vmem>>, %arg10: memref<400x128xf32, #tpu.memory_space<vmem>>, %arg11: memref<2x128xf32, #tpu.memory_space<vmem>>) attributes {dimension_semantics = [#tpu.dimension_semantics<arbitrary>], iteration_bounds = array<i64: 25>, scalar_prefetch = 0 : i64, scratch_operands = 0 : i64, tpu.core_type = #tpu.core_type<tc>, window_params = [{pipeline_mode = #tpu.pipeline_mode<synchronous>, transform_indices = @transform_0, window_bounds = array<i64: 1, 1>}, {transform_indices = @transform_1, window_bounds = array<i64: 400, 128>}, {transform_indices = @transform_2, window_bounds = array<i64: 400, 128>}, {transform_indices = @transform_3, window_bounds = array<i64: 400, 128>}, {transform_indices = @transform_4, window_bounds = array<i64: 400, 128>}, {pipeline_mode = #tpu.pipeline_mode<synchronous>, transform_indices = @transform_5, window_bounds = array<i64: 128, 128>}, {pipeline_mode = #tpu.pipeline_mode<synchronous>, transform_indices = @transform_6, window_bounds = array<i64: 1, 128>}, {pipeline_mode = #tpu.pipeline_mode<synchronous>, transform_indices = @transform_7, window_bounds = array<i64: 128, 128>}, {pipeline_mode = #tpu.pipeline_mode<synchronous>, transform_indices = @transform_8, window_bounds = array<i64: 1, 128>}, {transform_indices = @transform_9, window_bounds = array<i64: 400, 128>}, {pipeline_mode = #tpu.pipeline_mode<synchronous>, transform_indices = @transform_10, window_bounds = array<i64: 2, 128>}]} {
    %get3A = arith.constant 0 : index
    %get3A_0 = arith.constant 0 : index
    %get3A_1 = vector.load %arg2[%get3A, %get3A_0] : memref<400x128xf32, #tpu.memory_space<vmem>>, vector<400x128xf32>
    %get3A_2 = arith.constant 0 : index
    %get3A_3 = arith.constant 0 : index
    %get3A_4 = vector.load %arg1[%get3A_2, %get3A_3] : memref<1x1xf32, #tpu.memory_space<vmem>>, vector<1x1xf32>
    %get3A_5 = vector.extract %get3A_4[0, 0] : f32 from vector<1x1xf32>
    %add3A = arith.constant 1.000000e+00 : f32
    %add3A_6 = arith.addf %add3A, %get3A_5 : f32
    %mul3A = vector.broadcast %add3A_6 : f32 to vector<400x128xf32>
    %mul3A_7 = arith.mulf %mul3A, %get3A_1 : vector<400x128xf32>
    %get3A_8 = arith.constant 0 : index
    %get3A_9 = arith.constant 0 : index
    %get3A_10 = vector.load %arg3[%get3A_8, %get3A_9] : memref<400x128xf32, #tpu.memory_space<vmem>>, vector<400x128xf32>
    %get3A_11 = arith.constant 0 : index
    %get3A_12 = arith.constant 0 : index
    %get3A_13 = vector.load %arg4[%get3A_11, %get3A_12] : memref<400x128xf32, #tpu.memory_space<vmem>>, vector<400x128xf32>
    %add3A_14 = arith.addf %get3A_10, %get3A_13 : vector<400x128xf32>
    %add3A_15 = arith.addf %mul3A_7, %add3A_14 : vector<400x128xf32>
    %get3A_16 = arith.constant 0 : index
    %get3A_17 = arith.constant 0 : index
    %get3A_18 = vector.load %arg6[%get3A_16, %get3A_17] : memref<128x128xf32, #tpu.memory_space<vmem>>, vector<128x128xf32>
    %dot_general3A = arith.constant dense<0.000000e+00> : vector<400x128xf32>
    %dot_general3A_19 = tpu.matmul %add3A_15, %get3A_18, %dot_general3A {dimension_numbers = #tpu.dot_dimension_numbers<[1], [0], [0], [1], [0, 0, 1, 1], [], []>, precision = #tpu.contract_precision<fp32>, transpose_lhs_hint = false} : vector<400x128xf32>, vector<128x128xf32>, vector<400x128xf32> -> vector<400x128xf32>
    %get3A_20 = arith.constant 0 : index
    %get3A_21 = arith.constant 0 : index
    %get3A_22 = vector.load %arg7[%get3A_20, %get3A_21] : memref<1x128xf32, #tpu.memory_space<vmem>>, vector<1x128xf32>
    %add3A_23 = vector.broadcast %get3A_22 : vector<1x128xf32> to vector<400x128xf32>
    %add3A_24 = arith.addf %dot_general3A_19, %add3A_23 : vector<400x128xf32>
    %max3A = arith.constant 0.000000e+00 : f32
    %max3A_25 = vector.broadcast %max3A : f32 to vector<400x128xf32>
    %max3A_26 = arith.maximumf %add3A_24, %max3A_25 : vector<400x128xf32>
    %get3A_27 = arith.constant 0 : index
    %get3A_28 = arith.constant 0 : index
    %get3A_29 = vector.load %arg8[%get3A_27, %get3A_28] : memref<128x128xf32, #tpu.memory_space<vmem>>, vector<128x128xf32>
    %dot_general3A_30 = arith.constant dense<0.000000e+00> : vector<400x128xf32>
    %dot_general3A_31 = tpu.matmul %max3A_26, %get3A_29, %dot_general3A_30 {dimension_numbers = #tpu.dot_dimension_numbers<[1], [0], [0], [1], [0, 0, 1, 1], [], []>, precision = #tpu.contract_precision<fp32>, transpose_lhs_hint = false} : vector<400x128xf32>, vector<128x128xf32>, vector<400x128xf32> -> vector<400x128xf32>
    %get3A_32 = arith.constant 0 : index
    %get3A_33 = arith.constant 0 : index
    %get3A_34 = vector.load %arg9[%get3A_32, %get3A_33] : memref<1x128xf32, #tpu.memory_space<vmem>>, vector<1x128xf32>
    %add3A_35 = vector.broadcast %get3A_34 : vector<1x128xf32> to vector<400x128xf32>
    %add3A_36 = arith.addf %dot_general3A_31, %add3A_35 : vector<400x128xf32>
    %get3A_37 = arith.constant 0 : index
    %get3A_38 = arith.constant 0 : index
    %get3A_39 = vector.load %arg5[%get3A_37, %get3A_38] : memref<400x128xf32, #tpu.memory_space<vmem>>, vector<400x128xf32>
    %mul3A_40 = arith.mulf %get3A_39, %add3A_36 : vector<400x128xf32>
    %add3A_41 = arith.addf %mul3A_40, %get3A_1 : vector<400x128xf32>
    %swap3A = arith.constant 0 : index
    %swap3A_42 = arith.constant 0 : index
    %swap3A_43 = vector.load %arg10[%swap3A, %swap3A_42] : memref<400x128xf32, #tpu.memory_space<vmem>>, vector<400x128xf32>
    tpu.vector_store %arg10[%swap3A, %swap3A_42], %add3A_41 {strides = array<i32>} : memref<400x128xf32, #tpu.memory_space<vmem>>, vector<400x128xf32>,
    %reduce_sum3A = arith.constant dense<0.000000e+00> : vector<128xf32>
    %reduce_sum3A_44 = vector.multi_reduction <add>, %add3A_41, %reduce_sum3A [0] : vector<400x128xf32> to vector<128xf32>
    %broadcast_in_dim3A = vector.shape_cast %reduce_sum3A_44 : vector<128xf32> to vector<1x128xf32>
    %mul3A_45 = arith.mulf %add3A_41, %add3A_41 : vector<400x128xf32>
    %reduce_sum3A_46 = arith.constant dense<0.000000e+00> : vector<128xf32>
    %reduce_sum3A_47 = vector.multi_reduction <add>, %mul3A_45, %reduce_sum3A_46 [0] : vector<400x128xf32> to vector<128xf32>
    %broadcast_in_dim3A_48 = vector.shape_cast %reduce_sum3A_47 : vector<128xf32> to vector<1x128xf32>
    %concatenate3A = tpu.concatenate %broadcast_in_dim3A, %broadcast_in_dim3A_48 in 0 : vector<1x128xf32>, vector<1x128xf32> -> vector<2x128xf32>
    %eq3A = arith.constant 0 : i32
    %eq3A_49 = arith.cmpi eq, %arg0, %eq3A : i32
    %convert_element_type3A = arith.extui %eq3A_49 : i1 to i32
    %cond3A = arith.constant 0 : i32
    %cond3A_50 = arith.cmpi ne, %convert_element_type3A, %cond3A : i32
    scf.if %cond3A_50 {
      %swap3A_55 = arith.constant 0 : index
      %swap3A_56 = arith.constant 0 : index
      %swap3A_57 = vector.load %arg11[%swap3A_55, %swap3A_56] : memref<2x128xf32, #tpu.memory_space<vmem>>, vector<2x128xf32>
      tpu.vector_store %arg11[%swap3A_55, %swap3A_56], %concatenate3A {strides = array<i32>} : memref<2x128xf32, #tpu.memory_space<vmem>>, vector<2x128xf32>,
    } else {
    }
    %gt3A = arith.constant 0 : i32
    %gt3A_51 = arith.cmpi sgt, %arg0, %gt3A : i32
    %convert_element_type3A_52 = arith.extui %gt3A_51 : i1 to i32
    %cond3A_53 = arith.constant 0 : i32
    %cond3A_54 = arith.cmpi ne, %convert_element_type3A_52, %cond3A_53 : i32
    scf.if %cond3A_54 {
      %get3A_55 = arith.constant 0 : index
      %get3A_56 = arith.constant 0 : index
      %get3A_57 = vector.load %arg11[%get3A_55, %get3A_56] : memref<2x128xf32, #tpu.memory_space<vmem>>, vector<2x128xf32>
      %add3A_58 = arith.addf %get3A_57, %concatenate3A : vector<2x128xf32>
      %swap3A_59 = arith.constant 0 : index
      %swap3A_60 = arith.constant 0 : index
      %swap3A_61 = vector.load %arg11[%swap3A_59, %swap3A_60] : memref<2x128xf32, #tpu.memory_space<vmem>>, vector<2x128xf32>
      tpu.vector_store %arg11[%swap3A_59, %swap3A_60], %add3A_58 {strides = array<i32>} : memref<2x128xf32, #tpu.memory_space<vmem>>, vector<2x128xf32>,
    } else {
    }
    return
  }
  func.func @transform_0(%arg0: i32) -> (i32, i32) {
    %c0_i32 = arith.constant 0 : i32
    %c0_i32_0 = arith.constant 0 : i32
    %c0_i32_1 = arith.constant 0 : i32
    return %c0_i32, %c0_i32_0 : i32, i32
  }
  func.func @transform_1(%arg0: i32) -> (i32, i32) {
    %c0_i32 = arith.constant 0 : i32
    %c0_i32_0 = arith.constant 0 : i32
    return %arg0, %c0_i32 : i32, i32
  }
  func.func @transform_2(%arg0: i32) -> (i32, i32) {
    %c0_i32 = arith.constant 0 : i32
    %c0_i32_0 = arith.constant 0 : i32
    return %arg0, %c0_i32 : i32, i32
  }
  func.func @transform_3(%arg0: i32) -> (i32, i32) {
    %c0_i32 = arith.constant 0 : i32
    %c0_i32_0 = arith.constant 0 : i32
    return %arg0, %c0_i32 : i32, i32
  }
  func.func @transform_4(%arg0: i32) -> (i32, i32) {
    %c0_i32 = arith.constant 0 : i32
    %c0_i32_0 = arith.constant 0 : i32
    return %arg0, %c0_i32 : i32, i32
  }
  func.func @transform_5(%arg0: i32) -> (i32, i32) {
    %c0_i32 = arith.constant 0 : i32
    %c0_i32_0 = arith.constant 0 : i32
    %c0_i32_1 = arith.constant 0 : i32
    return %c0_i32, %c0_i32_0 : i32, i32
  }
  func.func @transform_6(%arg0: i32) -> (i32, i32) {
    %c0_i32 = arith.constant 0 : i32
    %c0_i32_0 = arith.constant 0 : i32
    %c0_i32_1 = arith.constant 0 : i32
    return %c0_i32, %c0_i32_0 : i32, i32
  }
  func.func @transform_7(%arg0: i32) -> (i32, i32) {
    %c0_i32 = arith.constant 0 : i32
    %c0_i32_0 = arith.constant 0 : i32
    %c0_i32_1 = arith.constant 0 : i32
    return %c0_i32, %c0_i32_0 : i32, i32
  }
  func.func @transform_8(%arg0: i32) -> (i32, i32) {
    %c0_i32 = arith.constant 0 : i32
    %c0_i32_0 = arith.constant 0 : i32
    %c0_i32_1 = arith.constant 0 : i32
    return %c0_i32, %c0_i32_0 : i32, i32
  }
  func.func @transform_9(%arg0: i32) -> (i32, i32) {
    %c0_i32 = arith.constant 0 : i32
    %c0_i32_0 = arith.constant 0 : i32
    return %arg0, %c0_i32 : i32, i32
  }
  func.func @transform_10(%arg0: i32) -> (i32, i32) {
    %c0_i32 = arith.constant 0 : i32
    %c0_i32_0 = arith.constant 0 : i32
    %c0_i32_1 = arith.constant 0 : i32
    return %c0_i32, %c0_i32_0 : i32, i32
  }
}

module attributes {stable_mosaic.version = 14 : i64} {
  func.func @_passB_body(%arg0: i32, %arg1: memref<2x128xf32, #tpu.memory_space<vmem>>, %arg2: memref<1x128xf32, #tpu.memory_space<vmem>>, %arg3: memref<1x128xf32, #tpu.memory_space<vmem>>, %arg4: memref<400x128xf32, #tpu.memory_space<vmem>>, %arg5: memref<400x128xf32, #tpu.memory_space<vmem>>) attributes {dimension_semantics = [#tpu.dimension_semantics<arbitrary>], iteration_bounds = array<i64: 25>, scalar_prefetch = 0 : i64, scratch_operands = 0 : i64, tpu.core_type = #tpu.core_type<tc>, window_params = [{pipeline_mode = #tpu.pipeline_mode<synchronous>, transform_indices = @transform_0, window_bounds = array<i64: 2, 128>}, {pipeline_mode = #tpu.pipeline_mode<synchronous>, transform_indices = @transform_1, window_bounds = array<i64: 1, 128>}, {pipeline_mode = #tpu.pipeline_mode<synchronous>, transform_indices = @transform_2, window_bounds = array<i64: 1, 128>}, {transform_indices = @transform_3, window_bounds = array<i64: 400, 128>}, {transform_indices = @transform_4, window_bounds = array<i64: 400, 128>}]} {
    %get3A = arith.constant 0 : index
    %get3A_0 = arith.constant 0 : index
    %get3A_1 = vector.load %arg1[%get3A, %get3A_0] : memref<2x128xf32, #tpu.memory_space<vmem>>, vector<1x128xf32>
    %mul3A = arith.constant 9.99999974E-5 : f32
    %mul3A_2 = vector.broadcast %mul3A : f32 to vector<1x128xf32>
    %mul3A_3 = arith.mulf %get3A_1, %mul3A_2 : vector<1x128xf32>
    %get3A_4 = arith.constant 1 : index
    %get3A_5 = arith.constant 0 : index
    %get3A_6 = vector.load %arg1[%get3A_4, %get3A_5] : memref<2x128xf32, #tpu.memory_space<vmem>>, vector<1x128xf32>
    %mul3A_7 = arith.constant 9.99999974E-5 : f32
    %mul3A_8 = vector.broadcast %mul3A_7 : f32 to vector<1x128xf32>
    %mul3A_9 = arith.mulf %get3A_6, %mul3A_8 : vector<1x128xf32>
    %mul3A_10 = arith.mulf %mul3A_3, %mul3A_3 : vector<1x128xf32>
    %sub3A = arith.subf %mul3A_9, %mul3A_10 : vector<1x128xf32>
    %add3A = arith.constant 9.99999974E-6 : f32
    %add3A_11 = vector.broadcast %add3A : f32 to vector<1x128xf32>
    %add3A_12 = arith.addf %sub3A, %add3A_11 : vector<1x128xf32>
    %rsqrt3A = math.rsqrt %add3A_12 : vector<1x128xf32>
    %get3A_13 = arith.constant 0 : index
    %get3A_14 = arith.constant 0 : index
    %get3A_15 = vector.load %arg4[%get3A_13, %get3A_14] : memref<400x128xf32, #tpu.memory_space<vmem>>, vector<400x128xf32>
    %sub3A_16 = vector.broadcast %mul3A_3 : vector<1x128xf32> to vector<400x128xf32>
    %sub3A_17 = arith.subf %get3A_15, %sub3A_16 : vector<400x128xf32>
    %mul3A_18 = vector.broadcast %rsqrt3A : vector<1x128xf32> to vector<400x128xf32>
    %mul3A_19 = arith.mulf %sub3A_17, %mul3A_18 : vector<400x128xf32>
    %get3A_20 = arith.constant 0 : index
    %get3A_21 = arith.constant 0 : index
    %get3A_22 = vector.load %arg2[%get3A_20, %get3A_21] : memref<1x128xf32, #tpu.memory_space<vmem>>, vector<1x128xf32>
    %mul3A_23 = vector.broadcast %get3A_22 : vector<1x128xf32> to vector<400x128xf32>
    %mul3A_24 = arith.mulf %mul3A_19, %mul3A_23 : vector<400x128xf32>
    %get3A_25 = arith.constant 0 : index
    %get3A_26 = arith.constant 0 : index
    %get3A_27 = vector.load %arg3[%get3A_25, %get3A_26] : memref<1x128xf32, #tpu.memory_space<vmem>>, vector<1x128xf32>
    %add3A_28 = vector.broadcast %get3A_27 : vector<1x128xf32> to vector<400x128xf32>
    %add3A_29 = arith.addf %mul3A_24, %add3A_28 : vector<400x128xf32>
    %max3A = arith.constant 0.000000e+00 : f32
    %max3A_30 = vector.broadcast %max3A : f32 to vector<400x128xf32>
    %max3A_31 = arith.maximumf %add3A_29, %max3A_30 : vector<400x128xf32>
    %swap3A = arith.constant 0 : index
    %swap3A_32 = arith.constant 0 : index
    %swap3A_33 = vector.load %arg5[%swap3A, %swap3A_32] : memref<400x128xf32, #tpu.memory_space<vmem>>, vector<400x128xf32>
    tpu.vector_store %arg5[%swap3A, %swap3A_32], %max3A_31 {strides = array<i32>} : memref<400x128xf32, #tpu.memory_space<vmem>>, vector<400x128xf32>,
    return
  }
  func.func @transform_0(%arg0: i32) -> (i32, i32) {
    %c0_i32 = arith.constant 0 : i32
    %c0_i32_0 = arith.constant 0 : i32
    %c0_i32_1 = arith.constant 0 : i32
    return %c0_i32, %c0_i32_0 : i32, i32
  }
  func.func @transform_1(%arg0: i32) -> (i32, i32) {
    %c0_i32 = arith.constant 0 : i32
    %c0_i32_0 = arith.constant 0 : i32
    %c0_i32_1 = arith.constant 0 : i32
    return %c0_i32, %c0_i32_0 : i32, i32
  }
  func.func @transform_2(%arg0: i32) -> (i32, i32) {
    %c0_i32 = arith.constant 0 : i32
    %c0_i32_0 = arith.constant 0 : i32
    %c0_i32_1 = arith.constant 0 : i32
    return %c0_i32, %c0_i32_0 : i32, i32
  }
  func.func @transform_3(%arg0: i32) -> (i32, i32) {
    %c0_i32 = arith.constant 0 : i32
    %c0_i32_0 = arith.constant 0 : i32
    return %arg0, %c0_i32 : i32, i32
  }
  func.func @transform_4(%arg0: i32) -> (i32, i32) {
    %c0_i32 = arith.constant 0 : i32
    %c0_i32_0 = arith.constant 0 : i32
    return %arg0, %c0_i32 : i32, i32
  }
}

module attributes {stable_mosaic.version = 14 : i64} {
  func.func @_passB_body(%arg0: i32, %arg1: memref<2x128xf32, #tpu.memory_space<vmem>>, %arg2: memref<1x128xf32, #tpu.memory_space<vmem>>, %arg3: memref<1x128xf32, #tpu.memory_space<vmem>>, %arg4: memref<400x128xf32, #tpu.memory_space<vmem>>, %arg5: memref<400x128xf32, #tpu.memory_space<vmem>>) attributes {dimension_semantics = [#tpu.dimension_semantics<arbitrary>], iteration_bounds = array<i64: 25>, scalar_prefetch = 0 : i64, scratch_operands = 0 : i64, tpu.core_type = #tpu.core_type<tc>, window_params = [{pipeline_mode = #tpu.pipeline_mode<synchronous>, transform_indices = @transform_0, window_bounds = array<i64: 2, 128>}, {pipeline_mode = #tpu.pipeline_mode<synchronous>, transform_indices = @transform_1, window_bounds = array<i64: 1, 128>}, {pipeline_mode = #tpu.pipeline_mode<synchronous>, transform_indices = @transform_2, window_bounds = array<i64: 1, 128>}, {transform_indices = @transform_3, window_bounds = array<i64: 400, 128>}, {transform_indices = @transform_4, window_bounds = array<i64: 400, 128>}]} {
    %get3A = arith.constant 0 : index
    %get3A_0 = arith.constant 0 : index
    %get3A_1 = vector.load %arg1[%get3A, %get3A_0] : memref<2x128xf32, #tpu.memory_space<vmem>>, vector<1x128xf32>
    %mul3A = arith.constant 9.99999974E-5 : f32
    %mul3A_2 = vector.broadcast %mul3A : f32 to vector<1x128xf32>
    %mul3A_3 = arith.mulf %get3A_1, %mul3A_2 : vector<1x128xf32>
    %get3A_4 = arith.constant 1 : index
    %get3A_5 = arith.constant 0 : index
    %get3A_6 = vector.load %arg1[%get3A_4, %get3A_5] : memref<2x128xf32, #tpu.memory_space<vmem>>, vector<1x128xf32>
    %mul3A_7 = arith.constant 9.99999974E-5 : f32
    %mul3A_8 = vector.broadcast %mul3A_7 : f32 to vector<1x128xf32>
    %mul3A_9 = arith.mulf %get3A_6, %mul3A_8 : vector<1x128xf32>
    %mul3A_10 = arith.mulf %mul3A_3, %mul3A_3 : vector<1x128xf32>
    %sub3A = arith.subf %mul3A_9, %mul3A_10 : vector<1x128xf32>
    %add3A = arith.constant 9.99999974E-6 : f32
    %add3A_11 = vector.broadcast %add3A : f32 to vector<1x128xf32>
    %add3A_12 = arith.addf %sub3A, %add3A_11 : vector<1x128xf32>
    %rsqrt3A = math.rsqrt %add3A_12 : vector<1x128xf32>
    %get3A_13 = arith.constant 0 : index
    %get3A_14 = arith.constant 0 : index
    %get3A_15 = vector.load %arg4[%get3A_13, %get3A_14] : memref<400x128xf32, #tpu.memory_space<vmem>>, vector<400x128xf32>
    %sub3A_16 = vector.broadcast %mul3A_3 : vector<1x128xf32> to vector<400x128xf32>
    %sub3A_17 = arith.subf %get3A_15, %sub3A_16 : vector<400x128xf32>
    %mul3A_18 = vector.broadcast %rsqrt3A : vector<1x128xf32> to vector<400x128xf32>
    %mul3A_19 = arith.mulf %sub3A_17, %mul3A_18 : vector<400x128xf32>
    %get3A_20 = arith.constant 0 : index
    %get3A_21 = arith.constant 0 : index
    %get3A_22 = vector.load %arg2[%get3A_20, %get3A_21] : memref<1x128xf32, #tpu.memory_space<vmem>>, vector<1x128xf32>
    %mul3A_23 = vector.broadcast %get3A_22 : vector<1x128xf32> to vector<400x128xf32>
    %mul3A_24 = arith.mulf %mul3A_19, %mul3A_23 : vector<400x128xf32>
    %get3A_25 = arith.constant 0 : index
    %get3A_26 = arith.constant 0 : index
    %get3A_27 = vector.load %arg3[%get3A_25, %get3A_26] : memref<1x128xf32, #tpu.memory_space<vmem>>, vector<1x128xf32>
    %add3A_28 = vector.broadcast %get3A_27 : vector<1x128xf32> to vector<400x128xf32>
    %add3A_29 = arith.addf %mul3A_24, %add3A_28 : vector<400x128xf32>
    %max3A = arith.constant 0.000000e+00 : f32
    %max3A_30 = vector.broadcast %max3A : f32 to vector<400x128xf32>
    %max3A_31 = arith.maximumf %add3A_29, %max3A_30 : vector<400x128xf32>
    %swap3A = arith.constant 0 : index
    %swap3A_32 = arith.constant 0 : index
    %swap3A_33 = vector.load %arg5[%swap3A, %swap3A_32] : memref<400x128xf32, #tpu.memory_space<vmem>>, vector<400x128xf32>
    tpu.vector_store %arg5[%swap3A, %swap3A_32], %max3A_31 {strides = array<i32>} : memref<400x128xf32, #tpu.memory_space<vmem>>, vector<400x128xf32>,
    return
  }
  func.func @transform_0(%arg0: i32) -> (i32, i32) {
    %c0_i32 = arith.constant 0 : i32
    %c0_i32_0 = arith.constant 0 : i32
    %c0_i32_1 = arith.constant 0 : i32
    return %c0_i32, %c0_i32_0 : i32, i32
  }
  func.func @transform_1(%arg0: i32) -> (i32, i32) {
    %c0_i32 = arith.constant 0 : i32
    %c0_i32_0 = arith.constant 0 : i32
    %c0_i32_1 = arith.constant 0 : i32
    return %c0_i32, %c0_i32_0 : i32, i32
  }
  func.func @transform_2(%arg0: i32) -> (i32, i32) {
    %c0_i32 = arith.constant 0 : i32
    %c0_i32_0 = arith.constant 0 : i32
    %c0_i32_1 = arith.constant 0 : i32
    return %c0_i32, %c0_i32_0 : i32, i32
  }
  func.func @transform_3(%arg0: i32) -> (i32, i32) {
    %c0_i32 = arith.constant 0 : i32
    %c0_i32_0 = arith.constant 0 : i32
    return %arg0, %c0_i32 : i32, i32
  }
  func.func @transform_4(%arg0: i32) -> (i32, i32) {
    %c0_i32 = arith.constant 0 : i32
    %c0_i32_0 = arith.constant 0 : i32
    return %arg0, %c0_i32 : i32, i32
  }
}

</mosaic_0001>

<sc_bundles>
// kernel: kernel.11.cloned.1.call-start
scs
__scs_entry_jumppad:
0x0: {  	(pc) =	sbr.rel $0x88, $3  }
0x1: {  	(tag) =	ssettag $0x0;
	lr =	simm.s32 $0x1  }
0x2: {  	[smem:$0x3F96] =	sst lr;
	_ =	strace $0xD0000000  }
0x3: {  	_ = 	snop  }
0x4: {  	_ = 	snop  }
0x5: {  	_ = 	snop  }
0x6: {  	_ = 	snop  }
0x7: {  	_ = 	snop  }
__scs_overlays_trampoline_lowered:
0x8: {  	[smem:$0x3FA5] =	sst s0  }
0x9: {  	[smem:$0x3FA6] =	sst s1  }
0xa: {  	[smem:$0x3FA7] =	sst s2  }
0xb: {  	[smem:$0x3FA8] =	sst s3  }
0xc: {  	[smem:$0x3FA9] =	sst s4  }
0xd: {  	[smem:$0x3FAA] =	sst s5  }
0xe: {  	[smem:$0x3FAB] =	sst s6  }
0xf: {  	[smem:$0x3FAC] =	sst s7  }
0x10: {  	[smem:$0x3FAD] =	sst s8  }
0x11: {  	[smem:$0x3FAE] =	sst s9;
	s0 =	simm.s32 @!p0 $0x0  }
0x12: {  	s1 =	sld [smem:$0x3F94];
	s0 =	simm.s32 @p0 $0x1  }
0x13: {  	[smem:$0x3FAF] =	sst s0;
	s0 =	simm.s32 @!p1 $0x0  }
0x14: {  	s2 =	sld [smem:$0x3F93];
	s0 =	simm.s32 @p1 $0x1  }
0x15: {  	[smem:$0x3FB0] =	sst s0;
	s0 =	simm.s32 @!p2 $0x0  }
0x16: {  	s3 =	sld [smem:$0x3FDB];
	s0 =	simm.s32 @p2 $0x1  }
0x17: {  	s4 =	simm.s32 $0x1BF5;
	[smem:$0x3FB2] =	sst s0  }
0x18: {  	s0 =	sld [smem:$0x3F95];
	_ =	swait.ge [sflag:s4], $0x0  }
0x19: {  	s7 =	sld [smem:$0x3F96]  }
0x1a: {  	s8 =	sadd.s32 $0xFFFFE003, lr  }
0x1b: {  	s9 =	sadd.s32 $0xFFFFFEF7, lr;
	s5 =	simm.s32 $0xFFFFFFFF;
	p2 =	slt.u32 s8, $0xFFFFF086  }
0x1c: {  	p1 =	slt.u32 s9, $0xF7A;
	s5 =	simm.s32 @!p2 $0x0  }
0x1d: {  	s5 =	simm.s32 @p1 $0x1;
	p0 =	seq.s32 s7, s2  }
0x1e: {  	s7 =	smul.u32 @!p0 $0xF7A, s2;
	p2 =	seq.s32 @!p0 s5, $0x0  }
0x1f: {  	s9 =	smul.u32 $0xF7A, s1;
	s8 =	simm.s32 @!p0 $0x1BF5;
	p2 =	por !p2, p0  }
0x20: {  	[sflag:s8] =	ssyncset.s32 @!p0 $0xFFFFF086;
	s6 =	sadd.s32 @!p0 s3, s7;
	s7 =	simm.s32 @!p0 $0x108  }
0x21: {  	s3 =	sadd.s32 s3, s9;
	s6 =	sadd.s32 @!p0 $0x88, s6;
	s7 =	simm.s32 @p2 $0x1082  }
0x22: {  	[simem:s7], [sflag:s8] =	dma.local @!p0 [hbm:s6], $0xF7A  }
0x23: {  	s9 =	sor.u32 $0xD0000000, s2;
	s6 =	simm.s32 $0x108;
	_ =	swait.ge @!p0 [sflag:s8], $0x0  }
0x24: {  	s3 =	sadd.s32 $0x88, s3;
	s6 =	simm.s32 @!p1 $0x1082;
	[sflag:s4] =	ssyncset.s32 $0xFFFFF086  }
0x25: {  	[simem:s6], [sflag:s4] =	dma.local [hbm:s3], $0xF7A  }
0x26: {  	[smem:$0x3F96] =	sst s1;
	(tag) =	ssettag s2;
	_ =	strace s9  }
0x27: {  	s1 =	sld [smem:$0x3FA6]  }
0x28: {  	s2 =	sld [smem:$0x3FA7]  }
0x29: {  	s4 =	sld [smem:$0x3FA9]  }
0x2a: {  	p0 =	seq.s32 s5, $0x0;
	s5 =	sld [smem:$0x3FAA]  }
0x2b: {  	s6 =	sld [smem:$0x3FAB]  }
0x2c: {  	s7 =	sld [smem:$0x3FAC]  }
0x2d: {  	s3 =	simm.s32 $0x108;
	s8 =	sld [smem:$0x3FAD]  }
0x2e: {  	s3 =	simm.s32 @!p0 $0x1082;
	s9 =	sld [smem:$0x3FAE]  }
0x2f: {  	lr =	sadd.s32 s0, s3;
	s0 =	sld [smem:$0x3FA5]  }
0x30: {  	s3 =	sld [smem:$0x3FA8]  }
0x31: {  	[smem:$0x3FB1] =	sst s10  }
0x32: {  	s10 =	sld [smem:$0x3FAF];
	_ =	sdelay $0x3  }
0x33: {  	p0 =	seq.s32 s10, $0x1;
	s10 =	sld [smem:$0x3FB1];
	_ =	sdelay $0x3  }
0x34: {  	[smem:$0x3FB1] =	sst s10  }
0x35: {  	s10 =	sld [smem:$0x3FB0];
	_ =	sdelay $0x3  }
0x36: {  	p1 =	seq.s32 s10, $0x1;
	s10 =	sld [smem:$0x3FB1];
	_ =	sdelay $0x3  }
0x37: {  	[smem:$0x3FB1] =	sst s10  }
0x38: {  	s10 =	sld [smem:$0x3FB2]  }
0x39: {  	_ = 	snop;
	(pc) =	sbr.ind lr, $3  }
0x3a: {  	_ = 	snop  }
0x3b: {  	_ = 	snop  }
0x3c: {  	p2 =	seq.s32 s10, $0x1;
	s10 =	sld [smem:$0x3FB1]  }
0x3d: {  	_ =	shalt  }
0x3e: {  	_ =	shalt  }
0x3f: {  	_ =	shalt  }
0x40: {  	_ =	shalt  }
0x41: {  	_ =	shalt  }
0x42: {  	_ =	shalt  }
0x43: {  	_ =	shalt  }
0x44: {  	_ =	shalt  }
0x45: {  	_ =	shalt  }
0x46: {  	_ =	shalt  }
0x47: {  	_ =	shalt  }
0x48: {  	_ =	shalt  }
0x49: {  	_ =	shalt  }
0x4a: {  	_ =	shalt  }
0x4b: {  	_ =	shalt  }
0x4c: {  	_ =	shalt  }
0x4d: {  	_ =	shalt  }
0x4e: {  	_ =	shalt  }
0x4f: {  	_ =	shalt  }
0x50: {  	_ =	shalt  }
0x51: {  	_ =	shalt  }
0x52: {  	_ =	shalt  }
0x53: {  	_ =	shalt  }
0x54: {  	_ =	shalt  }
0x55: {  	_ =	shalt  }
0x56: {  	_ =	shalt  }
0x57: {  	_ =	shalt  }
0x58: {  	_ =	shalt  }
0x59: {  	_ =	shalt  }
0x5a: {  	_ =	shalt  }
0x5b: {  	_ =	shalt  }
0x5c: {  	_ =	shalt  }
0x5d: {  	_ =	shalt  }
0x5e: {  	_ =	shalt  }
0x5f: {  	_ =	shalt  }
0x60: {  	_ =	shalt  }
0x61: {  	_ =	shalt  }
0x62: {  	_ =	shalt  }
0x63: {  	_ =	shalt  }
0x64: {  	_ =	shalt  }
0x65: {  	_ =	shalt  }
0x66: {  	_ =	shalt  }
0x67: {  	_ =	shalt  }
0x68: {  	_ =	shalt  }
0x69: {  	_ =	shalt  }
0x6a: {  	_ =	shalt  }
0x6b: {  	_ =	shalt  }
0x6c: {  	_ =	shalt  }
0x6d: {  	_ =	shalt  }
0x6e: {  	_ =	shalt  }
0x6f: {  	_ =	shalt  }
0x70: {  	_ =	shalt  }
0x71: {  	_ =	shalt  }
0x72: {  	_ =	shalt  }
0x73: {  	_ =	shalt  }
0x74: {  	_ =	shalt  }
0x75: {  	_ =	shalt  }
0x76: {  	_ =	shalt  }
0x77: {  	_ =	shalt  }
0x78: {  	_ =	shalt  }
0x79: {  	_ =	shalt  }
0x7a: {  	_ =	shalt  }
0x7b: {  	_ =	shalt  }
0x7c: {  	_ =	shalt  }
0x7d: {  	_ =	shalt  }
0x7e: {  	_ =	shalt  }
0x7f: {  	_ =	shalt  }
0x80: {  	_ =	shalt  }
0x81: {  	_ =	shalt  }
0x82: {  	_ =	shalt  }
0x83: {  	_ =	shalt  }
0x84: {  	_ =	shalt  }
0x85: {  	_ =	shalt  }
0x86: {  	_ =	shalt  }
0x87: {  	_ =	shalt  }
.Lfunc_end0:
.L_simem_size_0:
called_computation_lowered:
.L_overlay_start_0:
0x88: {  	s2 =	sld [smem:$0x3FD9]  }
0x89: {  	s3 =	sld [smem:$0x3FFE];
	_ =	sdelay $0x1  }
0x8a: {  	s1 =	srdreg.scid  }
0x8b: {  	s0 =	sand.u32 $0x1, s1  }
0x8c: {  	s17 =	sshll.u32 s0, $0xA;
	s2 =	sadd.s32 s3, s2  }
0x8d: {  	s2 =	sadd.s32 s2, s17  }
0x8e: {  	[smem:$0x3FBD] =	sst s2  }
0x8f: {  	_ = 	snop  }
0x90: {  	s2 =	sld [smem:$0x3FC9]  }
0x91: {  	s18 =	sld [smem:$0x3FC7]  }
0x92: {  	s4 =	sld [smem:$0x3FD0];
	(tm) =	ssettm $0x1  }
0x93: {  	s5 =	sld [smem:$0x3FFB];
	_ =	sdelay $0x3  }
0x94: {  	_ =	strace s5  }
0x95: {  	s5 =	sld [smem:$0x3FFC];
	_ =	sdelay $0x3  }
0x96: {  	_ =	strace s5  }
0x97: {  	s5 =	sld [smem:$0x3FFD];
	_ =	sdelay $0x3  }
0x98: {  	_ =	strace s5  }
0x99: {  	_ =	strace $0x8FFFFFFF  }
0x9a: {  	s19 =	sld [smem:$0x3FDB];
	_ =	sdelay $0x1  }
0x9b: {  	s6 =	simm.s32 $_scs_section_size  }
0x9c: {  	s7 =	simm.s32 $_size__tile_overlayer_lowered;
	s8 =	simm.s32 $_tile_overlayer_lowered  }
0x9d: {  	s22 =	simm.s32 $0x1BFF;
	s21 =	sshll.u32 s8, $0x1;
	s5 =	sadd.s32 s6, s19  }
0x9e: {  	s9 =	simm.s32 $0x0;
	s20 =	sshll.u32 s7, $0x1;
	s7 =	sadd.s32 s21, s5  }
0x9f: {  	[timem:s9], [sflag:s22] =	dma.local [hbm:s7], s20  }
0xa0: {  	_ =	swait.ge [sflag:s22], s20  }
0xa1: {  	s6 =	ssub.s32 $0x0, s20;
	[sflag:s22] =	ssyncset.done $0x0  }
0xa2: {  	[sflag:s22] =	ssyncadd.s32 s6;
	_ =	sdelay $0x1  }
0xa3: {  	s23 =	simm.s32 $0x1B8B  }
0xa4: {  	_ =	swait.ge [sflag:s23], $0x1  }
0xa5: {  	[sflag:s23] =	ssyncset.done $0x0  }
0xa6: {  	s25 =	simm.s32 $0x1B8E;
	s24 =	sld [smem:$0x3FFE];
	[sflag:s23] =	ssyncadd.s32 $0xFFFFFFFF  }
0xa7: {  	s26 =	simm.s32 $execute0_lowered;
	[smem:$0x3FD2] =	sst s25  }
0xa8: {  	s7 =	sshll.u32 s26, $0x1;
	_ =	strace $0x80000046;
	[dreg:$0x1] =	wrdreg $0xFFFFFFFF  }
0xa9: {  	s28 =	simm.s32 $_size_execute0_lowered;
	s5 =	sadd.s32 s5, s7;
	[dreg:$0x0] =	wrdreg $0x0  }
0xaa: {  	s7 =	sshll.u32 s28, $0x1;
	[dreg:$0x2] =	wrdreg s5  }
0xab: {  	[dreg:$0x3] =	wrdreg s7  }
0xac: {  	[dreg:$0x4] =	wrdreg $0xC0  }
0xad: {  	_ =	task [dreg:s9], $0x5FFFF  }
0xae: {  	[dreg:$0x1] =	wrdreg $0xFFFFFFFF  }
0xaf: {  	[dreg:$0x0] =	wrdreg $0x60  }
0xb0: {  	[dreg:$0x2] =	wrdreg s2  }
0xb1: {  	[dreg:$0x3] =	wrdreg s24  }
0xb2: {  	[dreg:$0x4] =	wrdreg s18  }
0xb3: {  	[dreg:$0x5] =	wrdreg s4  }
0xb4: {  	[dreg:$0x6] =	wrdreg $0x51000  }
0xb5: {  	[dreg:$0x7] =	wrdreg $0x9  }
0xb6: {  	_ =	task.clear_ibuf [dreg:s9], $0x8FFFF;
	_ =	strace $0x90000046  }
0xb7: {  	s29 =	simm.s32 $0x9;
	_ =	strace $0x80000048  }
0xb8: {  	_ =	swait.ge [sflag:s29], $0x1  }
0xb9: {  	[sflag:s29] =	ssyncadd.s32 $0xFFFFFFFF  }
0xba: {  	_ =	strace $0x90000048  }
0xbb: {  	_ =	sfence  }
0xbc: {  	s30 =	sld [smem:$0x0];
	_ =	sdelay $0x2  }
0xbd: {  	s31 =	sshll.u32 s1, $0xD;
	s1 =	sshrl.u32 s1, $0x2  }
0xbe: {  	s3 =	sand.u32 $0x4000, s31;
	s1 =	sadd.s32 s1, s30  }
0xbf: {  	s0 =	sor.u32 s3, s0;
	s1 =	sshll.u32 s1, $0x11  }
0xc0: {  	s0 =	sor.u32 s1, s0  }
0xc1: {  	s0 =	sadd.s32 $0x8F2B, s0  }
0xc2: {  	[sflag:s0] =	ssyncadd.remote.s32 $0x1  }
0xc3: {  	_ =	sfence.sel $0xFFFF  }
0xc4: {  	[dreg:$0x0] =	wrdreg $0xFFFFFFFF;
	(pc) =	sbr.abs _section_cstart, $3  }
0xc5: {  	[dreg:$0x1] =	wrdreg $0xFFFFFFFF  }
0xc6: {  	_ =	task.clear_ibuf [dreg:s9], $0x2FFFF;
	_ =	strace $0x9FFFFFFF  }
0xc7: {  	(tm) =	ssettm $0x7FFFFFFF  }
tec
execute0_lowered:
.L_overlay_start_1:
0x0: {  	(tag) =	ssettag $0x1  }
0x1: {  	s1 =	rddreg [dreg:$0x0]  }
0x2: {  	s7 =	rddreg [dreg:$0x1]  }
0x3: {  	s2 =	rddreg [dreg:$0x2]  }
0x4: {  	s9 =	rddreg [dreg:$0x3]  }
0x5: {  	s3 =	rddreg [dreg:$0x4]  }
0x6: {  	s0 =	rddreg [dreg:$0x5];
	s4 =	simm.s32 $0x0;
	s8 =	srdreg.scid  }
0x7: {  	s15 =	stileid.u32;
	s20 =	simm.s32 $0x100;
	s21 =	simm.s32 $0x2900  }
0x8: {  	s22 =	simm.s32 $0x1;
	s23 =	simm.s32 $0x2;
	[smem:$0x7FF] =	sst s4  }
0x9: {  	s5 =	sadd.s32 $0x4A00, s7;
	s6 =	sadd.s32 $0x14A00, s7;
	s10 =	smul.u32 $0x4E000, s15  }
0xa: {  	s8 =	sand.u32 $0x1, s8;
	s13 =	sadd.s32 $0x24A00, s7;
	s14 =	smul.u32 $0x13800, s15  }
0xb: {  	s29 =	sshll.u32 s15, $0x6;
	s19 =	sadd.s32 $0x138000, s3;
	p0 =	sne.s32 s15, $0x0  }
0xc: {  	_ =	strace $0x80000047;
	s24 =	ssub.s32 $0x2, s8;
	s12 =	sshll.u32 s8, $0x4  }
0xd: {  	s17 =	smul.u32 $0x138800, s8;
	s8 =	sor.u32 $0x1C03, s29;
	s11 =	sshrl.u32 s24, $0x1  }
0xe: {  	s25 =	sor.u32 s15, s12;
	s26 =	sshrl.u32 s10, $0x2;
	s28 =	sshrl.u32 s14, $0x3  }
0xf: {  	s16 =	ssub.s32 s24, s11;
	s18 =	sadd.s32 s26, s3;
	s7 =	sadd.s32 s9, s28  }
0x10: {  	s9 =	sadd.s32 $0x27000, s9;
	s30 =	sadd.s32 s14, s17;
	s10 =	sshll.u32 s25, $0xB  }
0x11: {  	s31 =	sshrl.u32 s17, $0x3;
	s11 =	smul.u32 $0x138800, s25;
	s17 =	sshrl.u32 @!p0 s19, $0x3  }
0x12: {  	s19 =	simm.s32 $0x50;
	s12 =	sshrl.u32 s30, $0x3;
	s14 =	smax.u32 s16, $0x1  }
0x13: {  	s15 =	sshrl.u32 s18, $0x3;
	s12 =	sadd.s32 s13, s12;
	s13 =	sadd.s32 s13, s31  }
0x14: {  	s16 =	simm.s32 $0x3;
	s18 =	simm.s32 $0x80;
	s13 =	sadd.s32 $0x27000, s13  }
.LBB2_1:
0x15: {  	[spmem:s15], [sflag:s8] =	dma.local [hbm:s7], $0x2700  }
0x16: {  	_ =	swait.ge [sflag:s16], $0x2700  }
0x17: {  	[sflag:s16] =	ssyncset.done $0x0  }
0x18: {  	s24 =	simm.s32 @!p0 $0x3;
	[sflag:s16] =	ssyncadd.s32 $0xFFFFD900  }
0x19: {  	[spmem:s17], [sflag:s8] =	dma.local @!p0 [hbm:s9], $0x100  }
0x1a: {  	_ =	swait.ge @!p0 [sflag:s24], $0x100  }
0x1b: {  	[sflag:s24] =	ssyncset.done @!p0 $0x0  }
0x1c: {  	[sflag:s24] =	ssyncadd.s32 @!p0 $0xFFFFFF00  }
0x1d: {  	s24 =	simm.s32 $0x0;
	[bflag:$0x0] =	sbarrier.arrive $0xFFFF  }
.LBB2_2:
0x1e: {  	s25 =	sshll.u32 s24, $0x4  }
0x1f: {  	s25 =	sadd.s32 s10, s25  }
0x20: {  	s28 =	simm.s32 $0x0;
	s26 =	sadd.s32 s5, s25  }
0x21: {  	[tilespmem:s28], [sflag:$0x3] =	stream.linear.gather [hbm4b:s26+s28], $0x80, $0x38;
	[tilespmem:$0x18980] =	vst v63  }
0x22: {  	_ =	swait.ge [sflag:s16], $0x80  }
0x23: {  	[sflag:s16] =	ssyncset.done $0x0  }
0x24: {  	s31 =	smul.u32 $0x2800, s24;
	s25 =	sadd.s32 s6, s25;
	[sflag:s16] =	ssyncadd.s32 $0xFFFFFF80  }
0x25: {  	[tilespmem:s18], [sflag:$0x3] =	stream.linear.gather [hbm4b:s25+s28], $0x80, $0x38;
	[tilespmem:$0x18980] =	vst v63  }
0x26: {  	_ =	swait.ge [sflag:s16], $0x80  }
0x27: {  	s25 =	sadd.s32 s11, s31;
	[sflag:s16] =	ssyncset.done $0x0  }
0x28: {  	s25 =	sshrl.u32 s25, $0x3;
	[sflag:s16] =	ssyncadd.s32 $0xFFFFFF80  }
0x29: {  	[tilespmem:s20], [sflag:$0x1] =	stream.indirect.gather [hbm4b:s1+s19], $0x80, s28, s19, $0xb8;
	[tilespmem:$0x18980] =	vst v63  }
0x2a: {  	s25 =	sadd.s32 s2, s25  }
0x2b: {  	[tilespmem:s21], [sflag:$0x2] =	stream.linear.gather [hbm4b:s25+s28], $0x2800, $0x38;
	[tilespmem:$0x18980] =	vst v63  }
0x2c: {  	_ =	swait.ge [sflag:s22], $0x2800  }
0x2d: {  	[sflag:s22] =	ssyncset.done $0x0  }
0x2e: {  	[sflag:s22] =	ssyncadd.s32 $0xFFFFD800  }
0x2f: {  	_ =	swait.ge [sflag:s23], $0x2800  }
0x30: {  	[sflag:s23] =	ssyncset.done $0x0  }
0x31: {  	s25 =	simm.s32 $0x0;
	[sflag:s23] =	ssyncadd.s32 $0xFFFFD800  }
0x32: {  	v6 =	vld [tilespmem:s25+$0x2900]  }
0x33: {  	v11 =	vld [tilespmem:s25+$0x2910]  }
0x34: {  	v5 =	vld [tilespmem:s25+$0x2920]  }
0x35: {  	v4 =	vld [tilespmem:s25+$0x2930]  }
0x36: {  	v3 =	vld [tilespmem:s25+$0x2940]  }
0x37: {  	v2 =	vld [tilespmem:s25+$0x2950]  }
0x38: {  	v1 =	vld [tilespmem:s25+$0x2960]  }
0x39: {  	v0 =	vld [tilespmem:s25+$0x2970]  }
0x3a: {  	v12 =	vld [tilespmem:s25+$0x100]  }
0x3b: {  	v13 =	vld [tilespmem:s25+$0x110]  }
0x3c: {  	v10 =	vld [tilespmem:s25+$0x120]  }
0x3d: {  	v9 =	vld [tilespmem:s25+$0x130]  }
0x3e: {  	v8 =	vld [tilespmem:s25+$0x140]  }
0x3f: {  	v7 =	vld [tilespmem:s25+$0x150];
	v12 =	vadd.f32 v6, v12  }
0x40: {  	s26 =	simm.s32 $0x200;
	v11 =	vadd.f32 v11, v13;
	v6 =	vld [tilespmem:s25+$0x160]  }
.LBB2_3:
0x41: {  	s28 =	sshra.s32 s26, $0x2;
	p1 =	sne.s32 s26, $0x9E00;
	v12 =	vmax.f32 v12, $0.0e+00;
	v5 =	vadd.f32 v5, v10;
	v10 =	vld [tilespmem:s25+$0x170]  }
0x42: {  	v13 =	vld [tilespmem:s28+$0x2900];
	[tilespmem:s25+$0x100] =	vst v12;
	v11 =	vmax.f32 v11, $0.0e+00;
	v4 =	vadd.f32 v4, v9  }
0x43: {  	v14 =	vld [tilespmem:s28+$0x2910];
	[tilespmem:s25+$0x110] =	vst v11;
	v9 =	vmax.f32 v5, $0.0e+00;
	v3 =	vadd.f32 v3, v8  }
0x44: {  	v5 =	vld [tilespmem:s28+$0x2920];
	[tilespmem:s25+$0x120] =	vst v9;
	v8 =	vmax.f32 v4, $0.0e+00;
	v2 =	vadd.f32 v2, v7  }
0x45: {  	v4 =	vld [tilespmem:s28+$0x2930];
	[tilespmem:s25+$0x130] =	vst v8;
	v7 =	vmax.f32 v3, $0.0e+00;
	v1 =	vadd.f32 v1, v6  }
0x46: {  	v3 =	vld [tilespmem:s28+$0x2940];
	[tilespmem:s25+$0x140] =	vst v7;
	v6 =	vmax.f32 v2, $0.0e+00;
	v0 =	vadd.f32 v0, v10  }
0x47: {  	v2 =	vld [tilespmem:s28+$0x2950];
	[tilespmem:s25+$0x150] =	vst v6;
	v6 =	vmax.f32 v1, $0.0e+00  }
0x48: {  	v1 =	vld [tilespmem:s28+$0x2960];
	[tilespmem:s25+$0x160] =	vst v6;
	v6 =	vmax.f32 v0, $0.0e+00  }
0x49: {  	v0 =	vld [tilespmem:s28+$0x2970];
	[tilespmem:s25+$0x170] =	vst v6;
	s25 =	smov.u32 s28  }
0x4a: {  	v6 =	vld [tilespmem:s25+$0x100]  }
0x4b: {  	v11 =	vld [tilespmem:s25+$0x110]  }
.Ltmp0:
0x4c: {  	v10 =	vld [tilespmem:s25+$0x120];
	(pc) =	sbr.rel @p1 .LBB2_3-.Ltmp0, $4  }
0x4d: {  	v9 =	vld [tilespmem:s25+$0x130]  }
0x4e: {  	v8 =	vld [tilespmem:s25+$0x140]  }
0x4f: {  	v12 =	vadd.f32 v13, v6;
	v7 =	vld [tilespmem:s25+$0x150]  }
0x50: {  	s26 =	sadd.s32 $0x200, s26;
	v11 =	vadd.f32 v14, v11;
	v6 =	vld [tilespmem:s25+$0x160]  }
0x51: {  	v12 =	vmax.f32 v12, $0.0e+00;
	v5 =	vadd.f32 v5, v10;
	v63 =	vld [tilespmem:s25+$0x170]  }
0x52: {  	[tilespmem:s25+$0x100] =	vst v12;
	v11 =	vmax.f32 v11, $0.0e+00;
	v4 =	vadd.f32 v4, v9  }
0x53: {  	[tilespmem:s25+$0x110] =	vst v11;
	v5 =	vmax.f32 v5, $0.0e+00;
	v3 =	vadd.f32 v3, v8  }
0x54: {  	[tilespmem:s25+$0x120] =	vst v5;
	v4 =	vmax.f32 v4, $0.0e+00;
	v2 =	vadd.f32 v2, v7  }
0x55: {  	[tilespmem:s25+$0x130] =	vst v4;
	v3 =	vmax.f32 v3, $0.0e+00;
	v1 =	vadd.f32 v1, v6  }
0x56: {  	[tilespmem:s25+$0x140] =	vst v3;
	v2 =	vmax.f32 v2, $0.0e+00;
	v0 =	vadd.f32 v0, v63  }
0x57: {  	s24 =	sadd.s32 $0x1, s24;
	[tilespmem:s25+$0x150] =	vst v2;
	v1 =	vmax.f32 v1, $0.0e+00  }
0x58: {  	p1 =	sne.s32 s24, $0x7D;
	[tilespmem:s25+$0x160] =	vst v1;
	v0 =	vmax.f32 v0, $0.0e+00  }
.Ltmp1:
0x59: {  	[tilespmem:s25+$0x170] =	vst v0;
	(pc) =	sbr.rel @p1 .LBB2_2-.Ltmp1, $4  }
0x5a: {  	[spmem:s3] =	stream.indirect.scatter.add.f32 [tilespmem:s20], [sflag:$0x3], $0x80, s18, s19, $0xb8;
	[tilespmem:$0x18980] =	vst v63  }
0x5b: {  	_ =	swait.ge [sflag:s16], $0x2800  }
0x5c: {  	[sflag:s16] =	ssyncset.done $0x0  }
0x5d: {  	[sflag:s16] =	ssyncadd.s32 $0xFFFFD800  }
0x5e: {  	[bflag:$0x0] =	sbarrier.arrive $0xFFFF  }
0x5f: {  	[hbm:s12], [sflag:s8] =	dma.local [spmem:s15], $0x2700  }
0x60: {  	s4 =	sadd.s32 $0x1, s4;
	_ =	swait.ge [sflag:s16], $0x2700  }
0x61: {  	p1 =	sne.s32 s4, s14;
	[sflag:s16] =	ssyncset.done $0x0  }
.Ltmp2:
0x62: {  	s24 =	simm.s32 @!p0 $0x3;
	[sflag:s16] =	ssyncadd.s32 $0xFFFFD900;
	(pc) =	sbr.rel @p1 .LBB2_1-.Ltmp2, $4  }
0x63: {  	[hbm:s13], [sflag:s8] =	dma.local @!p0 [spmem:s17], $0x100  }
0x64: {  	_ =	swait.ge @!p0 [sflag:s24], $0x100  }
0x65: {  	[sflag:s24] =	ssyncset.done @!p0 $0x0  }
0x66: {  	[sflag:s24] =	ssyncadd.s32 @!p0 $0xFFFFFF00  }
0x67: {  	_ =	sfence.sel $0x180000  }
0x68: {  	[bflag:$0x0] =	sbarrier.arrive $0xFFFF  }
0x69: {  	_ =	strace $0x90000047  }
0x6a: {  	s0 =	sadd.s32 @!p0 $0x100000, s0;
	[bflag:$0x2] =	sbarrier.arrive $0xFFFF  }
0x6b: {  	[sflag:s0] =	ssyncadd.tile.s32 @!p0 $0x1;
	_ =	shalt  }
.Lfunc_end2:
_tile_overlayer_lowered:
.L_overlay_start_2:
0x6c: {  	(tag) =	ssettag $0x2  }
0x6d: {  	s0 =	rddreg [dreg:$0x0];
	s2 =	stileid.u32  }
0x6e: {  	s1 =	rddreg [dreg:$0x1];
	p0 =	sne.s32 s2, $0x0  }
0x6f: {  	s3 =	rddreg [dreg:$0x2];
	[bflag:$0x3] =	sbarrier.arrive $0xFFFF;
	s2 =	simm.s32 @!p0 $0x1C03  }
0x70: {  	[timem:s3], [sflag:s2] =	dma.local @!p0 [hbm:s0], s1  }
0x71: {  	s0 =	simm.s32 @!p0 $0x3  }
0x72: {  	_ =	swait.ge @!p0 [sflag:s0], s1  }
0x73: {  	s1 =	ssub.s32 @!p0 $0x0, s1;
	[sflag:s0] =	ssyncset.done @!p0 $0x0  }
0x74: {  	[sflag:s0] =	ssyncadd.s32 @!p0 s1  }
0x75: {  	[bflag:$0x3] =	sbarrier.arrive $0xFFFF  }
0x76: {  	_ =	shalt  }

// kernel: kernel.14.cloned.1.call-start
scs
__scs_entry_jumppad:
0x0: {  	(pc) =	sbr.rel $0x88, $3  }
0x1: {  	(tag) =	ssettag $0x0;
	lr =	simm.s32 $0x1  }
0x2: {  	[smem:$0x3F96] =	sst lr;
	_ =	strace $0xD0000000  }
0x3: {  	_ = 	snop  }
0x4: {  	_ = 	snop  }
0x5: {  	_ = 	snop  }
0x6: {  	_ = 	snop  }
0x7: {  	_ = 	snop  }
__scs_overlays_trampoline_lowered:
0x8: {  	[smem:$0x3FA5] =	sst s0  }
0x9: {  	[smem:$0x3FA6] =	sst s1  }
0xa: {  	[smem:$0x3FA7] =	sst s2  }
0xb: {  	[smem:$0x3FA8] =	sst s3  }
0xc: {  	[smem:$0x3FA9] =	sst s4  }
0xd: {  	[smem:$0x3FAA] =	sst s5  }
0xe: {  	[smem:$0x3FAB] =	sst s6  }
0xf: {  	[smem:$0x3FAC] =	sst s7  }
0x10: {  	[smem:$0x3FAD] =	sst s8  }
0x11: {  	[smem:$0x3FAE] =	sst s9;
	s0 =	simm.s32 @!p0 $0x0  }
0x12: {  	s1 =	sld [smem:$0x3F94];
	s0 =	simm.s32 @p0 $0x1  }
0x13: {  	[smem:$0x3FAF] =	sst s0;
	s0 =	simm.s32 @!p1 $0x0  }
0x14: {  	s2 =	sld [smem:$0x3F93];
	s0 =	simm.s32 @p1 $0x1  }
0x15: {  	[smem:$0x3FB0] =	sst s0;
	s0 =	simm.s32 @!p2 $0x0  }
0x16: {  	s3 =	sld [smem:$0x3FDB];
	s0 =	simm.s32 @p2 $0x1  }
0x17: {  	s4 =	simm.s32 $0x1BF5;
	[smem:$0x3FB2] =	sst s0  }
0x18: {  	s0 =	sld [smem:$0x3F95];
	_ =	swait.ge [sflag:s4], $0x0  }
0x19: {  	s7 =	sld [smem:$0x3F96]  }
0x1a: {  	s8 =	sadd.s32 $0xFFFFE003, lr  }
0x1b: {  	s9 =	sadd.s32 $0xFFFFFEF7, lr;
	s5 =	simm.s32 $0xFFFFFFFF;
	p2 =	slt.u32 s8, $0xFFFFF086  }
0x1c: {  	p1 =	slt.u32 s9, $0xF7A;
	s5 =	simm.s32 @!p2 $0x0  }
0x1d: {  	s5 =	simm.s32 @p1 $0x1;
	p0 =	seq.s32 s7, s2  }
0x1e: {  	s7 =	smul.u32 @!p0 $0xF7A, s2;
	p2 =	seq.s32 @!p0 s5, $0x0  }
0x1f: {  	s9 =	smul.u32 $0xF7A, s1;
	s8 =	simm.s32 @!p0 $0x1BF5;
	p2 =	por !p2, p0  }
0x20: {  	[sflag:s8] =	ssyncset.s32 @!p0 $0xFFFFF086;
	s6 =	sadd.s32 @!p0 s3, s7;
	s7 =	simm.s32 @!p0 $0x108  }
0x21: {  	s3 =	sadd.s32 s3, s9;
	s6 =	sadd.s32 @!p0 $0x88, s6;
	s7 =	simm.s32 @p2 $0x1082  }
0x22: {  	[simem:s7], [sflag:s8] =	dma.local @!p0 [hbm:s6], $0xF7A  }
0x23: {  	s9 =	sor.u32 $0xD0000000, s2;
	s6 =	simm.s32 $0x108;
	_ =	swait.ge @!p0 [sflag:s8], $0x0  }
0x24: {  	s3 =	sadd.s32 $0x88, s3;
	s6 =	simm.s32 @!p1 $0x1082;
	[sflag:s4] =	ssyncset.s32 $0xFFFFF086  }
0x25: {  	[simem:s6], [sflag:s4] =	dma.local [hbm:s3], $0xF7A  }
0x26: {  	[smem:$0x3F96] =	sst s1;
	(tag) =	ssettag s2;
	_ =	strace s9  }
0x27: {  	s1 =	sld [smem:$0x3FA6]  }
0x28: {  	s2 =	sld [smem:$0x3FA7]  }
0x29: {  	s4 =	sld [smem:$0x3FA9]  }
0x2a: {  	p0 =	seq.s32 s5, $0x0;
	s5 =	sld [smem:$0x3FAA]  }
0x2b: {  	s6 =	sld [smem:$0x3FAB]  }
0x2c: {  	s7 =	sld [smem:$0x3FAC]  }
0x2d: {  	s3 =	simm.s32 $0x108;
	s8 =	sld [smem:$0x3FAD]  }
0x2e: {  	s3 =	simm.s32 @!p0 $0x1082;
	s9 =	sld [smem:$0x3FAE]  }
0x2f: {  	lr =	sadd.s32 s0, s3;
	s0 =	sld [smem:$0x3FA5]  }
0x30: {  	s3 =	sld [smem:$0x3FA8]  }
0x31: {  	[smem:$0x3FB1] =	sst s10  }
0x32: {  	s10 =	sld [smem:$0x3FAF];
	_ =	sdelay $0x3  }
0x33: {  	p0 =	seq.s32 s10, $0x1;
	s10 =	sld [smem:$0x3FB1];
	_ =	sdelay $0x3  }
0x34: {  	[smem:$0x3FB1] =	sst s10  }
0x35: {  	s10 =	sld [smem:$0x3FB0];
	_ =	sdelay $0x3  }
0x36: {  	p1 =	seq.s32 s10, $0x1;
	s10 =	sld [smem:$0x3FB1];
	_ =	sdelay $0x3  }
0x37: {  	[smem:$0x3FB1] =	sst s10  }
0x38: {  	s10 =	sld [smem:$0x3FB2]  }
0x39: {  	_ = 	snop;
	(pc) =	sbr.ind lr, $3  }
0x3a: {  	_ = 	snop  }
0x3b: {  	_ = 	snop  }
0x3c: {  	p2 =	seq.s32 s10, $0x1;
	s10 =	sld [smem:$0x3FB1]  }
0x3d: {  	_ =	shalt  }
0x3e: {  	_ =	shalt  }
0x3f: {  	_ =	shalt  }
0x40: {  	_ =	shalt  }
0x41: {  	_ =	shalt  }
0x42: {  	_ =	shalt  }
0x43: {  	_ =	shalt  }
0x44: {  	_ =	shalt  }
0x45: {  	_ =	shalt  }
0x46: {  	_ =	shalt  }
0x47: {  	_ =	shalt  }
0x48: {  	_ =	shalt  }
0x49: {  	_ =	shalt  }
0x4a: {  	_ =	shalt  }
0x4b: {  	_ =	shalt  }
0x4c: {  	_ =	shalt  }
0x4d: {  	_ =	shalt  }
0x4e: {  	_ =	shalt  }
0x4f: {  	_ =	shalt  }
0x50: {  	_ =	shalt  }
0x51: {  	_ =	shalt  }
0x52: {  	_ =	shalt  }
0x53: {  	_ =	shalt  }
0x54: {  	_ =	shalt  }
0x55: {  	_ =	shalt  }
0x56: {  	_ =	shalt  }
0x57: {  	_ =	shalt  }
0x58: {  	_ =	shalt  }
0x59: {  	_ =	shalt  }
0x5a: {  	_ =	shalt  }
0x5b: {  	_ =	shalt  }
0x5c: {  	_ =	shalt  }
0x5d: {  	_ =	shalt  }
0x5e: {  	_ =	shalt  }
0x5f: {  	_ =	shalt  }
0x60: {  	_ =	shalt  }
0x61: {  	_ =	shalt  }
0x62: {  	_ =	shalt  }
0x63: {  	_ =	shalt  }
0x64: {  	_ =	shalt  }
0x65: {  	_ =	shalt  }
0x66: {  	_ =	shalt  }
0x67: {  	_ =	shalt  }
0x68: {  	_ =	shalt  }
0x69: {  	_ =	shalt  }
0x6a: {  	_ =	shalt  }
0x6b: {  	_ =	shalt  }
0x6c: {  	_ =	shalt  }
0x6d: {  	_ =	shalt  }
0x6e: {  	_ =	shalt  }
0x6f: {  	_ =	shalt  }
0x70: {  	_ =	shalt  }
0x71: {  	_ =	shalt  }
0x72: {  	_ =	shalt  }
0x73: {  	_ =	shalt  }
0x74: {  	_ =	shalt  }
0x75: {  	_ =	shalt  }
0x76: {  	_ =	shalt  }
0x77: {  	_ =	shalt  }
0x78: {  	_ =	shalt  }
0x79: {  	_ =	shalt  }
0x7a: {  	_ =	shalt  }
0x7b: {  	_ =	shalt  }
0x7c: {  	_ =	shalt  }
0x7d: {  	_ =	shalt  }
0x7e: {  	_ =	shalt  }
0x7f: {  	_ =	shalt  }
0x80: {  	_ =	shalt  }
0x81: {  	_ =	shalt  }
0x82: {  	_ =	shalt  }
0x83: {  	_ =	shalt  }
0x84: {  	_ =	shalt  }
0x85: {  	_ =	shalt  }
0x86: {  	_ =	shalt  }
0x87: {  	_ =	shalt  }
.Lfunc_end0:
.L_simem_size_0:
called_computation.1_lowered:
.L_overlay_start_0:
0x88: {  	s2 =	sld [smem:$0x3FD9]  }
0x89: {  	s3 =	sld [smem:$0x3FFE];
	_ =	sdelay $0x1  }
0x8a: {  	s1 =	srdreg.scid  }
0x8b: {  	s0 =	sand.u32 $0x1, s1  }
0x8c: {  	s17 =	sshll.u32 s0, $0xA;
	s2 =	sadd.s32 s3, s2  }
0x8d: {  	s2 =	sadd.s32 s2, s17  }
0x8e: {  	[smem:$0x3FBD] =	sst s2  }
0x8f: {  	_ = 	snop  }
0x90: {  	s2 =	sld [smem:$0x3FC7]  }
0x91: {  	s18 =	sld [smem:$0x3FD0];
	(tm) =	ssettm $0x1  }
0x92: {  	s4 =	sld [smem:$0x3FFB];
	_ =	sdelay $0x3  }
0x93: {  	_ =	strace s4  }
0x94: {  	s4 =	sld [smem:$0x3FFC];
	_ =	sdelay $0x3  }
0x95: {  	_ =	strace s4  }
0x96: {  	s4 =	sld [smem:$0x3FFD];
	_ =	sdelay $0x3  }
0x97: {  	_ =	strace s4  }
0x98: {  	_ =	strace $0x8FFFFFFF  }
0x99: {  	s19 =	sld [smem:$0x3FDB];
	_ =	sdelay $0x1  }
0x9a: {  	s5 =	simm.s32 $_scs_section_size  }
0x9b: {  	s6 =	simm.s32 $_size__tile_overlayer_lowered;
	s7 =	simm.s32 $_tile_overlayer_lowered  }
0x9c: {  	s22 =	simm.s32 $0x1BFF;
	s21 =	sshll.u32 s7, $0x1;
	s4 =	sadd.s32 s5, s19  }
0x9d: {  	s8 =	simm.s32 $0x0;
	s20 =	sshll.u32 s6, $0x1;
	s6 =	sadd.s32 s21, s4  }
0x9e: {  	[timem:s8], [sflag:s22] =	dma.local [hbm:s6], s20  }
0x9f: {  	_ =	swait.ge [sflag:s22], s20  }
0xa0: {  	s5 =	ssub.s32 $0x0, s20;
	[sflag:s22] =	ssyncset.done $0x0  }
0xa1: {  	[sflag:s22] =	ssyncadd.s32 s5;
	_ =	sdelay $0x1  }
0xa2: {  	s23 =	simm.s32 $0x1B8B  }
0xa3: {  	_ =	swait.ge [sflag:s23], $0x1  }
0xa4: {  	[sflag:s23] =	ssyncset.done $0x0  }
0xa5: {  	s25 =	simm.s32 $0x1B8E;
	s24 =	sld [smem:$0x3FFE];
	[sflag:s23] =	ssyncadd.s32 $0xFFFFFFFF  }
0xa6: {  	s26 =	simm.s32 $execute0_lowered;
	[smem:$0x3FD2] =	sst s25  }
0xa7: {  	s6 =	sshll.u32 s26, $0x1;
	_ =	strace $0x80000049;
	[dreg:$0x1] =	wrdreg $0xFFFFFFFF  }
0xa8: {  	s28 =	simm.s32 $_size_execute0_lowered;
	s4 =	sadd.s32 s4, s6;
	[dreg:$0x0] =	wrdreg $0x0  }
0xa9: {  	s6 =	sshll.u32 s28, $0x1;
	[dreg:$0x2] =	wrdreg s4  }
0xaa: {  	[dreg:$0x3] =	wrdreg s6  }
0xab: {  	[dreg:$0x4] =	wrdreg $0xC0  }
0xac: {  	_ =	task [dreg:s8], $0x5FFFF  }
0xad: {  	[dreg:$0x1] =	wrdreg $0xFFFFFFFF  }
0xae: {  	[dreg:$0x0] =	wrdreg $0x60  }
0xaf: {  	[dreg:$0x2] =	wrdreg s24  }
0xb0: {  	[dreg:$0x3] =	wrdreg s2  }
0xb1: {  	[dreg:$0x4] =	wrdreg s18  }
0xb2: {  	[dreg:$0x5] =	wrdreg $0x51000  }
0xb3: {  	[dreg:$0x6] =	wrdreg $0x9  }
0xb4: {  	_ =	task.clear_ibuf [dreg:s8], $0x7FFFF;
	_ =	strace $0x90000049  }
0xb5: {  	s29 =	simm.s32 $0x9;
	_ =	strace $0x8000004B  }
0xb6: {  	_ =	swait.ge [sflag:s29], $0x1  }
0xb7: {  	[sflag:s29] =	ssyncadd.s32 $0xFFFFFFFF  }
0xb8: {  	_ =	strace $0x9000004B  }
0xb9: {  	_ =	sfence  }
0xba: {  	s30 =	sld [smem:$0x0];
	_ =	sdelay $0x2  }
0xbb: {  	s31 =	sshll.u32 s1, $0xD;
	s1 =	sshrl.u32 s1, $0x2  }
0xbc: {  	s3 =	sand.u32 $0x4000, s31;
	s1 =	sadd.s32 s1, s30  }
0xbd: {  	s0 =	sor.u32 s3, s0;
	s1 =	sshll.u32 s1, $0x11  }
0xbe: {  	s0 =	sor.u32 s1, s0  }
0xbf: {  	s0 =	sadd.s32 $0x8F2B, s0  }
0xc0: {  	[sflag:s0] =	ssyncadd.remote.s32 $0x1  }
0xc1: {  	_ =	sfence.sel $0xFFFF  }
0xc2: {  	[dreg:$0x0] =	wrdreg $0xFFFFFFFF;
	(pc) =	sbr.abs _section_cstart, $3  }
0xc3: {  	[dreg:$0x1] =	wrdreg $0xFFFFFFFF  }
0xc4: {  	_ =	task.clear_ibuf [dreg:s8], $0x2FFFF;
	_ =	strace $0x9FFFFFFF  }
0xc5: {  	(tm) =	ssettm $0x7FFFFFFF  }
tec
execute0_lowered:
.L_overlay_start_1:
0x0: {  	(tag) =	ssettag $0x1  }
0x1: {  	s7 =	rddreg [dreg:$0x0]  }
0x2: {  	s1 =	rddreg [dreg:$0x1]  }
0x3: {  	s9 =	rddreg [dreg:$0x2]  }
0x4: {  	s2 =	rddreg [dreg:$0x3]  }
0x5: {  	s0 =	rddreg [dreg:$0x4]  }
0x6: {  	s3 =	simm.s32 $0x0;
	s8 =	srdreg.scid;
	s15 =	stileid.u32  }
0x7: {  	s20 =	simm.s32 $0x100;
	s21 =	simm.s32 $0x2900;
	s22 =	simm.s32 $0x1  }
0x8: {  	s23 =	simm.s32 $0x2;
	[smem:$0x7FF] =	sst s3;
	s4 =	sadd.s32 $0x24A00, s7  }
0x9: {  	s5 =	sadd.s32 $0x4A00, s7;
	s6 =	sadd.s32 $0x14A00, s7;
	s10 =	smul.u32 $0x4E000, s15  }
0xa: {  	s8 =	sand.u32 $0x1, s8;
	s13 =	sadd.s32 $0x76E00, s7;
	s14 =	smul.u32 $0x13800, s15  }
0xb: {  	s29 =	sshll.u32 s15, $0x6;
	s19 =	sadd.s32 $0x138000, s2;
	p0 =	sne.s32 s15, $0x0  }
0xc: {  	_ =	strace $0x8000004A;
	s24 =	ssub.s32 $0x2, s8;
	s12 =	sshll.u32 s8, $0x4  }
0xd: {  	s17 =	smul.u32 $0x138800, s8;
	s8 =	sor.u32 $0x1C03, s29;
	s11 =	sshrl.u32 s24, $0x1  }
0xe: {  	s25 =	sor.u32 s15, s12;
	s26 =	sshrl.u32 s10, $0x2;
	s28 =	sshrl.u32 s14, $0x3  }
0xf: {  	s16 =	ssub.s32 s24, s11;
	s18 =	sadd.s32 s26, s2;
	s7 =	sadd.s32 s9, s28  }
0x10: {  	s9 =	sadd.s32 $0x27000, s9;
	s30 =	sadd.s32 s14, s17;
	s10 =	sshll.u32 s25, $0xB  }
0x11: {  	s31 =	sshrl.u32 s17, $0x3;
	s11 =	smul.u32 $0x138800, s25;
	s17 =	sshrl.u32 @!p0 s19, $0x3  }
0x12: {  	s19 =	simm.s32 $0x50;
	s12 =	sshrl.u32 s30, $0x3;
	s14 =	smax.u32 s16, $0x1  }
0x13: {  	s15 =	sshrl.u32 s18, $0x3;
	s12 =	sadd.s32 s13, s12;
	s13 =	sadd.s32 s13, s31  }
0x14: {  	s16 =	simm.s32 $0x3;
	s18 =	simm.s32 $0x80;
	s13 =	sadd.s32 $0x27000, s13  }
.LBB2_1:
0x15: {  	[spmem:s15], [sflag:s8] =	dma.local [hbm:s7], $0x2700  }
0x16: {  	_ =	swait.ge [sflag:s16], $0x2700  }
0x17: {  	[sflag:s16] =	ssyncset.done $0x0  }
0x18: {  	s24 =	simm.s32 @!p0 $0x3;
	[sflag:s16] =	ssyncadd.s32 $0xFFFFD900  }
0x19: {  	[spmem:s17], [sflag:s8] =	dma.local @!p0 [hbm:s9], $0x100  }
0x1a: {  	_ =	swait.ge @!p0 [sflag:s24], $0x100  }
0x1b: {  	[sflag:s24] =	ssyncset.done @!p0 $0x0  }
0x1c: {  	[sflag:s24] =	ssyncadd.s32 @!p0 $0xFFFFFF00  }
0x1d: {  	s24 =	simm.s32 $0x0;
	[bflag:$0x0] =	sbarrier.arrive $0xFFFF  }
.LBB2_2:
0x1e: {  	s25 =	sshll.u32 s24, $0x4  }
0x1f: {  	s25 =	sadd.s32 s10, s25  }
0x20: {  	s28 =	simm.s32 $0x0;
	s26 =	sadd.s32 s5, s25  }
0x21: {  	[tilespmem:s28], [sflag:$0x3] =	stream.linear.gather [hbm4b:s26+s28], $0x80, $0x38;
	[tilespmem:$0x18980] =	vst v63  }
0x22: {  	_ =	swait.ge [sflag:s16], $0x80  }
0x23: {  	[sflag:s16] =	ssyncset.done $0x0  }
0x24: {  	s31 =	smul.u32 $0x2800, s24;
	s25 =	sadd.s32 s6, s25;
	[sflag:s16] =	ssyncadd.s32 $0xFFFFFF80  }
0x25: {  	[tilespmem:s18], [sflag:$0x3] =	stream.linear.gather [hbm4b:s25+s28], $0x80, $0x38;
	[tilespmem:$0x18980] =	vst v63  }
0x26: {  	_ =	swait.ge [sflag:s16], $0x80  }
0x27: {  	s25 =	sadd.s32 s11, s31;
	[sflag:s16] =	ssyncset.done $0x0  }
0x28: {  	s25 =	sshrl.u32 s25, $0x3;
	[sflag:s16] =	ssyncadd.s32 $0xFFFFFF80  }
0x29: {  	[tilespmem:s20], [sflag:$0x1] =	stream.indirect.gather [hbm4b:s4+s19], $0x80, s28, s19, $0xb8;
	[tilespmem:$0x18980] =	vst v63  }
0x2a: {  	s25 =	sadd.s32 s1, s25  }
0x2b: {  	[tilespmem:s21], [sflag:$0x2] =	stream.linear.gather [hbm4b:s25+s28], $0x2800, $0x38;
	[tilespmem:$0x18980] =	vst v63  }
0x2c: {  	_ =	swait.ge [sflag:s22], $0x2800  }
0x2d: {  	[sflag:s22] =	ssyncset.done $0x0  }
0x2e: {  	[sflag:s22] =	ssyncadd.s32 $0xFFFFD800  }
0x2f: {  	_ =	swait.ge [sflag:s23], $0x2800  }
0x30: {  	[sflag:s23] =	ssyncset.done $0x0  }
0x31: {  	s25 =	simm.s32 $0x0;
	[sflag:s23] =	ssyncadd.s32 $0xFFFFD800  }
0x32: {  	v6 =	vld [tilespmem:s25+$0x2900]  }
0x33: {  	v11 =	vld [tilespmem:s25+$0x2910]  }
0x34: {  	v5 =	vld [tilespmem:s25+$0x2920]  }
0x35: {  	v4 =	vld [tilespmem:s25+$0x2930]  }
0x36: {  	v3 =	vld [tilespmem:s25+$0x2940]  }
0x37: {  	v2 =	vld [tilespmem:s25+$0x2950]  }
0x38: {  	v1 =	vld [tilespmem:s25+$0x2960]  }
0x39: {  	v0 =	vld [tilespmem:s25+$0x2970]  }
0x3a: {  	v12 =	vld [tilespmem:s25+$0x100]  }
0x3b: {  	v13 =	vld [tilespmem:s25+$0x110]  }
0x3c: {  	v10 =	vld [tilespmem:s25+$0x120]  }
0x3d: {  	v9 =	vld [tilespmem:s25+$0x130]  }
0x3e: {  	v8 =	vld [tilespmem:s25+$0x140]  }
0x3f: {  	v7 =	vld [tilespmem:s25+$0x150];
	v12 =	vadd.f32 v6, v12  }
0x40: {  	s26 =	simm.s32 $0x200;
	v11 =	vadd.f32 v11, v13;
	v6 =	vld [tilespmem:s25+$0x160]  }
.LBB2_3:
0x41: {  	s28 =	sshra.s32 s26, $0x2;
	p1 =	sne.s32 s26, $0x9E00;
	v12 =	vmax.f32 v12, $0.0e+00;
	v5 =	vadd.f32 v5, v10;
	v10 =	vld [tilespmem:s25+$0x170]  }
0x42: {  	v13 =	vld [tilespmem:s28+$0x2900];
	[tilespmem:s25+$0x100] =	vst v12;
	v11 =	vmax.f32 v11, $0.0e+00;
	v4 =	vadd.f32 v4, v9  }
0x43: {  	v14 =	vld [tilespmem:s28+$0x2910];
	[tilespmem:s25+$0x110] =	vst v11;
	v9 =	vmax.f32 v5, $0.0e+00;
	v3 =	vadd.f32 v3, v8  }
0x44: {  	v5 =	vld [tilespmem:s28+$0x2920];
	[tilespmem:s25+$0x120] =	vst v9;
	v8 =	vmax.f32 v4, $0.0e+00;
	v2 =	vadd.f32 v2, v7  }
0x45: {  	v4 =	vld [tilespmem:s28+$0x2930];
	[tilespmem:s25+$0x130] =	vst v8;
	v7 =	vmax.f32 v3, $0.0e+00;
	v1 =	vadd.f32 v1, v6  }
0x46: {  	v3 =	vld [tilespmem:s28+$0x2940];
	[tilespmem:s25+$0x140] =	vst v7;
	v6 =	vmax.f32 v2, $0.0e+00;
	v0 =	vadd.f32 v0, v10  }
0x47: {  	v2 =	vld [tilespmem:s28+$0x2950];
	[tilespmem:s25+$0x150] =	vst v6;
	v6 =	vmax.f32 v1, $0.0e+00  }
0x48: {  	v1 =	vld [tilespmem:s28+$0x2960];
	[tilespmem:s25+$0x160] =	vst v6;
	v6 =	vmax.f32 v0, $0.0e+00  }
0x49: {  	v0 =	vld [tilespmem:s28+$0x2970];
	[tilespmem:s25+$0x170] =	vst v6;
	s25 =	smov.u32 s28  }
0x4a: {  	v6 =	vld [tilespmem:s25+$0x100]  }
0x4b: {  	v11 =	vld [tilespmem:s25+$0x110]  }
.Ltmp0:
0x4c: {  	v10 =	vld [tilespmem:s25+$0x120];
	(pc) =	sbr.rel @p1 .LBB2_3-.Ltmp0, $4  }
0x4d: {  	v9 =	vld [tilespmem:s25+$0x130]  }
0x4e: {  	v8 =	vld [tilespmem:s25+$0x140]  }
0x4f: {  	v12 =	vadd.f32 v13, v6;
	v7 =	vld [tilespmem:s25+$0x150]  }
0x50: {  	s26 =	sadd.s32 $0x200, s26;
	v11 =	vadd.f32 v14, v11;
	v6 =	vld [tilespmem:s25+$0x160]  }
0x51: {  	v12 =	vmax.f32 v12, $0.0e+00;
	v5 =	vadd.f32 v5, v10;
	v63 =	vld [tilespmem:s25+$0x170]  }
0x52: {  	[tilespmem:s25+$0x100] =	vst v12;
	v11 =	vmax.f32 v11, $0.0e+00;
	v4 =	vadd.f32 v4, v9  }
0x53: {  	[tilespmem:s25+$0x110] =	vst v11;
	v5 =	vmax.f32 v5, $0.0e+00;
	v3 =	vadd.f32 v3, v8  }
0x54: {  	[tilespmem:s25+$0x120] =	vst v5;
	v4 =	vmax.f32 v4, $0.0e+00;
	v2 =	vadd.f32 v2, v7  }
0x55: {  	[tilespmem:s25+$0x130] =	vst v4;
	v3 =	vmax.f32 v3, $0.0e+00;
	v1 =	vadd.f32 v1, v6  }
0x56: {  	[tilespmem:s25+$0x140] =	vst v3;
	v2 =	vmax.f32 v2, $0.0e+00;
	v0 =	vadd.f32 v0, v63  }
0x57: {  	s24 =	sadd.s32 $0x1, s24;
	[tilespmem:s25+$0x150] =	vst v2;
	v1 =	vmax.f32 v1, $0.0e+00  }
0x58: {  	p1 =	sne.s32 s24, $0x7D;
	[tilespmem:s25+$0x160] =	vst v1;
	v0 =	vmax.f32 v0, $0.0e+00  }
.Ltmp1:
0x59: {  	[tilespmem:s25+$0x170] =	vst v0;
	(pc) =	sbr.rel @p1 .LBB2_2-.Ltmp1, $4  }
0x5a: {  	[spmem:s2] =	stream.indirect.scatter.add.f32 [tilespmem:s20], [sflag:$0x3], $0x80, s18, s19, $0xb8;
	[tilespmem:$0x18980] =	vst v63  }
0x5b: {  	_ =	swait.ge [sflag:s16], $0x2800  }
0x5c: {  	[sflag:s16] =	ssyncset.done $0x0  }
0x5d: {  	[sflag:s16] =	ssyncadd.s32 $0xFFFFD800  }
0x5e: {  	[bflag:$0x0] =	sbarrier.arrive $0xFFFF  }
0x5f: {  	[hbm:s12], [sflag:s8] =	dma.local [spmem:s15], $0x2700  }
0x60: {  	s3 =	sadd.s32 $0x1, s3;
	_ =	swait.ge [sflag:s16], $0x2700  }
0x61: {  	p1 =	sne.s32 s3, s14;
	[sflag:s16] =	ssyncset.done $0x0  }
.Ltmp2:
0x62: {  	s24 =	simm.s32 @!p0 $0x3;
	[sflag:s16] =	ssyncadd.s32 $0xFFFFD900;
	(pc) =	sbr.rel @p1 .LBB2_1-.Ltmp2, $4  }
0x63: {  	[hbm:s13], [sflag:s8] =	dma.local @!p0 [spmem:s17], $0x100  }
0x64: {  	_ =	swait.ge @!p0 [sflag:s24], $0x100  }
0x65: {  	[sflag:s24] =	ssyncset.done @!p0 $0x0  }
0x66: {  	[sflag:s24] =	ssyncadd.s32 @!p0 $0xFFFFFF00  }
0x67: {  	_ =	sfence.sel $0x180000  }
0x68: {  	[bflag:$0x0] =	sbarrier.arrive $0xFFFF  }
0x69: {  	_ =	strace $0x9000004A  }
0x6a: {  	s0 =	sadd.s32 @!p0 $0x100000, s0;
	[bflag:$0x2] =	sbarrier.arrive $0xFFFF  }
0x6b: {  	[sflag:s0] =	ssyncadd.tile.s32 @!p0 $0x1;
	_ =	shalt  }
.Lfunc_end2:
_tile_overlayer_lowered:
.L_overlay_start_2:
0x6c: {  	(tag) =	ssettag $0x2  }
0x6d: {  	s0 =	rddreg [dreg:$0x0];
	s2 =	stileid.u32  }
0x6e: {  	s1 =	rddreg [dreg:$0x1];
	p0 =	sne.s32 s2, $0x0  }
0x6f: {  	s3 =	rddreg [dreg:$0x2];
	[bflag:$0x3] =	sbarrier.arrive $0xFFFF;
	s2 =	simm.s32 @!p0 $0x1C03  }
0x70: {  	[timem:s3], [sflag:s2] =	dma.local @!p0 [hbm:s0], s1  }
0x71: {  	s0 =	simm.s32 @!p0 $0x3  }
0x72: {  	_ =	swait.ge @!p0 [sflag:s0], s1  }
0x73: {  	s1 =	ssub.s32 @!p0 $0x0, s1;
	[sflag:s0] =	ssyncset.done @!p0 $0x0  }
0x74: {  	[sflag:s0] =	ssyncadd.s32 @!p0 s1  }
0x75: {  	[bflag:$0x3] =	sbarrier.arrive $0xFFFF  }
0x76: {  	_ =	shalt  }

// kernel: kernel.17.cloned.1.call-start
scs
__scs_entry_jumppad:
0x0: {  	(pc) =	sbr.rel $0x88, $3  }
0x1: {  	(tag) =	ssettag $0x0;
	lr =	simm.s32 $0x1  }
0x2: {  	[smem:$0x3F96] =	sst lr;
	_ =	strace $0xD0000000  }
0x3: {  	_ = 	snop  }
0x4: {  	_ = 	snop  }
0x5: {  	_ = 	snop  }
0x6: {  	_ = 	snop  }
0x7: {  	_ = 	snop  }
__scs_overlays_trampoline_lowered:
0x8: {  	[smem:$0x3FA5] =	sst s0  }
0x9: {  	[smem:$0x3FA6] =	sst s1  }
0xa: {  	[smem:$0x3FA7] =	sst s2  }
0xb: {  	[smem:$0x3FA8] =	sst s3  }
0xc: {  	[smem:$0x3FA9] =	sst s4  }
0xd: {  	[smem:$0x3FAA] =	sst s5  }
0xe: {  	[smem:$0x3FAB] =	sst s6  }
0xf: {  	[smem:$0x3FAC] =	sst s7  }
0x10: {  	[smem:$0x3FAD] =	sst s8  }
0x11: {  	[smem:$0x3FAE] =	sst s9;
	s0 =	simm.s32 @!p0 $0x0  }
0x12: {  	s1 =	sld [smem:$0x3F94];
	s0 =	simm.s32 @p0 $0x1  }
0x13: {  	[smem:$0x3FAF] =	sst s0;
	s0 =	simm.s32 @!p1 $0x0  }
0x14: {  	s2 =	sld [smem:$0x3F93];
	s0 =	simm.s32 @p1 $0x1  }
0x15: {  	[smem:$0x3FB0] =	sst s0;
	s0 =	simm.s32 @!p2 $0x0  }
0x16: {  	s3 =	sld [smem:$0x3FDB];
	s0 =	simm.s32 @p2 $0x1  }
0x17: {  	s4 =	simm.s32 $0x1BF5;
	[smem:$0x3FB2] =	sst s0  }
0x18: {  	s0 =	sld [smem:$0x3F95];
	_ =	swait.ge [sflag:s4], $0x0  }
0x19: {  	s7 =	sld [smem:$0x3F96]  }
0x1a: {  	s8 =	sadd.s32 $0xFFFFE003, lr  }
0x1b: {  	s9 =	sadd.s32 $0xFFFFFEF7, lr;
	s5 =	simm.s32 $0xFFFFFFFF;
	p2 =	slt.u32 s8, $0xFFFFF086  }
0x1c: {  	p1 =	slt.u32 s9, $0xF7A;
	s5 =	simm.s32 @!p2 $0x0  }
0x1d: {  	s5 =	simm.s32 @p1 $0x1;
	p0 =	seq.s32 s7, s2  }
0x1e: {  	s7 =	smul.u32 @!p0 $0xF7A, s2;
	p2 =	seq.s32 @!p0 s5, $0x0  }
0x1f: {  	s9 =	smul.u32 $0xF7A, s1;
	s8 =	simm.s32 @!p0 $0x1BF5;
	p2 =	por !p2, p0  }
0x20: {  	[sflag:s8] =	ssyncset.s32 @!p0 $0xFFFFF086;
	s6 =	sadd.s32 @!p0 s3, s7;
	s7 =	simm.s32 @!p0 $0x108  }
0x21: {  	s3 =	sadd.s32 s3, s9;
	s6 =	sadd.s32 @!p0 $0x88, s6;
	s7 =	simm.s32 @p2 $0x1082  }
0x22: {  	[simem:s7], [sflag:s8] =	dma.local @!p0 [hbm:s6], $0xF7A  }
0x23: {  	s9 =	sor.u32 $0xD0000000, s2;
	s6 =	simm.s32 $0x108;
	_ =	swait.ge @!p0 [sflag:s8], $0x0  }
0x24: {  	s3 =	sadd.s32 $0x88, s3;
	s6 =	simm.s32 @!p1 $0x1082;
	[sflag:s4] =	ssyncset.s32 $0xFFFFF086  }
0x25: {  	[simem:s6], [sflag:s4] =	dma.local [hbm:s3], $0xF7A  }
0x26: {  	[smem:$0x3F96] =	sst s1;
	(tag) =	ssettag s2;
	_ =	strace s9  }
0x27: {  	s1 =	sld [smem:$0x3FA6]  }
0x28: {  	s2 =	sld [smem:$0x3FA7]  }
0x29: {  	s4 =	sld [smem:$0x3FA9]  }
0x2a: {  	p0 =	seq.s32 s5, $0x0;
	s5 =	sld [smem:$0x3FAA]  }
0x2b: {  	s6 =	sld [smem:$0x3FAB]  }
0x2c: {  	s7 =	sld [smem:$0x3FAC]  }
0x2d: {  	s3 =	simm.s32 $0x108;
	s8 =	sld [smem:$0x3FAD]  }
0x2e: {  	s3 =	simm.s32 @!p0 $0x1082;
	s9 =	sld [smem:$0x3FAE]  }
0x2f: {  	lr =	sadd.s32 s0, s3;
	s0 =	sld [smem:$0x3FA5]  }
0x30: {  	s3 =	sld [smem:$0x3FA8]  }
0x31: {  	[smem:$0x3FB1] =	sst s10  }
0x32: {  	s10 =	sld [smem:$0x3FAF];
	_ =	sdelay $0x3  }
0x33: {  	p0 =	seq.s32 s10, $0x1;
	s10 =	sld [smem:$0x3FB1];
	_ =	sdelay $0x3  }
0x34: {  	[smem:$0x3FB1] =	sst s10  }
0x35: {  	s10 =	sld [smem:$0x3FB0];
	_ =	sdelay $0x3  }
0x36: {  	p1 =	seq.s32 s10, $0x1;
	s10 =	sld [smem:$0x3FB1];
	_ =	sdelay $0x3  }
0x37: {  	[smem:$0x3FB1] =	sst s10  }
0x38: {  	s10 =	sld [smem:$0x3FB2]  }
0x39: {  	_ = 	snop;
	(pc) =	sbr.ind lr, $3  }
0x3a: {  	_ = 	snop  }
0x3b: {  	_ = 	snop  }
0x3c: {  	p2 =	seq.s32 s10, $0x1;
	s10 =	sld [smem:$0x3FB1]  }
0x3d: {  	_ =	shalt  }
0x3e: {  	_ =	shalt  }
0x3f: {  	_ =	shalt  }
0x40: {  	_ =	shalt  }
0x41: {  	_ =	shalt  }
0x42: {  	_ =	shalt  }
0x43: {  	_ =	shalt  }
0x44: {  	_ =	shalt  }
0x45: {  	_ =	shalt  }
0x46: {  	_ =	shalt  }
0x47: {  	_ =	shalt  }
0x48: {  	_ =	shalt  }
0x49: {  	_ =	shalt  }
0x4a: {  	_ =	shalt  }
0x4b: {  	_ =	shalt  }
0x4c: {  	_ =	shalt  }
0x4d: {  	_ =	shalt  }
0x4e: {  	_ =	shalt  }
0x4f: {  	_ =	shalt  }
0x50: {  	_ =	shalt  }
0x51: {  	_ =	shalt  }
0x52: {  	_ =	shalt  }
0x53: {  	_ =	shalt  }
0x54: {  	_ =	shalt  }
0x55: {  	_ =	shalt  }
0x56: {  	_ =	shalt  }
0x57: {  	_ =	shalt  }
0x58: {  	_ =	shalt  }
0x59: {  	_ =	shalt  }
0x5a: {  	_ =	shalt  }
0x5b: {  	_ =	shalt  }
0x5c: {  	_ =	shalt  }
0x5d: {  	_ =	shalt  }
0x5e: {  	_ =	shalt  }
0x5f: {  	_ =	shalt  }
0x60: {  	_ =	shalt  }
0x61: {  	_ =	shalt  }
0x62: {  	_ =	shalt  }
0x63: {  	_ =	shalt  }
0x64: {  	_ =	shalt  }
0x65: {  	_ =	shalt  }
0x66: {  	_ =	shalt  }
0x67: {  	_ =	shalt  }
0x68: {  	_ =	shalt  }
0x69: {  	_ =	shalt  }
0x6a: {  	_ =	shalt  }
0x6b: {  	_ =	shalt  }
0x6c: {  	_ =	shalt  }
0x6d: {  	_ =	shalt  }
0x6e: {  	_ =	shalt  }
0x6f: {  	_ =	shalt  }
0x70: {  	_ =	shalt  }
0x71: {  	_ =	shalt  }
0x72: {  	_ =	shalt  }
0x73: {  	_ =	shalt  }
0x74: {  	_ =	shalt  }
0x75: {  	_ =	shalt  }
0x76: {  	_ =	shalt  }
0x77: {  	_ =	shalt  }
0x78: {  	_ =	shalt  }
0x79: {  	_ =	shalt  }
0x7a: {  	_ =	shalt  }
0x7b: {  	_ =	shalt  }
0x7c: {  	_ =	shalt  }
0x7d: {  	_ =	shalt  }
0x7e: {  	_ =	shalt  }
0x7f: {  	_ =	shalt  }
0x80: {  	_ =	shalt  }
0x81: {  	_ =	shalt  }
0x82: {  	_ =	shalt  }
0x83: {  	_ =	shalt  }
0x84: {  	_ =	shalt  }
0x85: {  	_ =	shalt  }
0x86: {  	_ =	shalt  }
0x87: {  	_ =	shalt  }
.Lfunc_end0:
.L_simem_size_0:
called_computation.2_lowered:
.L_overlay_start_0:
0x88: {  	s2 =	sld [smem:$0x3FD9]  }
0x89: {  	s3 =	sld [smem:$0x3FFE];
	_ =	sdelay $0x1  }
0x8a: {  	s1 =	srdreg.scid  }
0x8b: {  	s0 =	sand.u32 $0x1, s1  }
0x8c: {  	s17 =	sshll.u32 s0, $0xA;
	s2 =	sadd.s32 s3, s2  }
0x8d: {  	s2 =	sadd.s32 s2, s17  }
0x8e: {  	[smem:$0x3FBD] =	sst s2  }
0x8f: {  	_ = 	snop  }
0x90: {  	s2 =	sld [smem:$0x3FC7]  }
0x91: {  	s18 =	sld [smem:$0x3FD0];
	(tm) =	ssettm $0x1  }
0x92: {  	s4 =	sld [smem:$0x3FFB];
	_ =	sdelay $0x3  }
0x93: {  	_ =	strace s4  }
0x94: {  	s4 =	sld [smem:$0x3FFC];
	_ =	sdelay $0x3  }
0x95: {  	_ =	strace s4  }
0x96: {  	s4 =	sld [smem:$0x3FFD];
	_ =	sdelay $0x3  }
0x97: {  	_ =	strace s4  }
0x98: {  	_ =	strace $0x8FFFFFFF  }
0x99: {  	s19 =	sld [smem:$0x3FDB];
	_ =	sdelay $0x1  }
0x9a: {  	s5 =	simm.s32 $_scs_section_size  }
0x9b: {  	s6 =	simm.s32 $_size__tile_overlayer_lowered;
	s7 =	simm.s32 $_tile_overlayer_lowered  }
0x9c: {  	s22 =	simm.s32 $0x1BFF;
	s21 =	sshll.u32 s7, $0x1;
	s4 =	sadd.s32 s5, s19  }
0x9d: {  	s8 =	simm.s32 $0x0;
	s20 =	sshll.u32 s6, $0x1;
	s6 =	sadd.s32 s21, s4  }
0x9e: {  	[timem:s8], [sflag:s22] =	dma.local [hbm:s6], s20  }
0x9f: {  	_ =	swait.ge [sflag:s22], s20  }
0xa0: {  	s5 =	ssub.s32 $0x0, s20;
	[sflag:s22] =	ssyncset.done $0x0  }
0xa1: {  	[sflag:s22] =	ssyncadd.s32 s5;
	_ =	sdelay $0x1  }
0xa2: {  	s23 =	simm.s32 $0x1B8B  }
0xa3: {  	_ =	swait.ge [sflag:s23], $0x1  }
0xa4: {  	[sflag:s23] =	ssyncset.done $0x0  }
0xa5: {  	s25 =	simm.s32 $0x1B8E;
	s24 =	sld [smem:$0x3FFE];
	[sflag:s23] =	ssyncadd.s32 $0xFFFFFFFF  }
0xa6: {  	s26 =	simm.s32 $execute0_lowered;
	[smem:$0x3FD2] =	sst s25  }
0xa7: {  	s6 =	sshll.u32 s26, $0x1;
	_ =	strace $0x8000004C;
	[dreg:$0x1] =	wrdreg $0xFFFFFFFF  }
0xa8: {  	s28 =	simm.s32 $_size_execute0_lowered;
	s4 =	sadd.s32 s4, s6;
	[dreg:$0x0] =	wrdreg $0x0  }
0xa9: {  	s6 =	sshll.u32 s28, $0x1;
	[dreg:$0x2] =	wrdreg s4  }
0xaa: {  	[dreg:$0x3] =	wrdreg s6  }
0xab: {  	[dreg:$0x4] =	wrdreg $0xC0  }
0xac: {  	_ =	task [dreg:s8], $0x5FFFF  }
0xad: {  	[dreg:$0x1] =	wrdreg $0xFFFFFFFF  }
0xae: {  	[dreg:$0x0] =	wrdreg $0x60  }
0xaf: {  	[dreg:$0x2] =	wrdreg s24  }
0xb0: {  	[dreg:$0x3] =	wrdreg s2  }
0xb1: {  	[dreg:$0x4] =	wrdreg s18  }
0xb2: {  	[dreg:$0x5] =	wrdreg $0x51000  }
0xb3: {  	[dreg:$0x6] =	wrdreg $0x9  }
0xb4: {  	_ =	task.clear_ibuf [dreg:s8], $0x7FFFF;
	_ =	strace $0x9000004C  }
0xb5: {  	s29 =	simm.s32 $0x9;
	_ =	strace $0x8000004E  }
0xb6: {  	_ =	swait.ge [sflag:s29], $0x1  }
0xb7: {  	[sflag:s29] =	ssyncadd.s32 $0xFFFFFFFF  }
0xb8: {  	_ =	strace $0x9000004E  }
0xb9: {  	_ =	sfence  }
0xba: {  	s30 =	sld [smem:$0x0];
	_ =	sdelay $0x2  }
0xbb: {  	s31 =	sshll.u32 s1, $0xD;
	s1 =	sshrl.u32 s1, $0x2  }
0xbc: {  	s3 =	sand.u32 $0x4000, s31;
	s1 =	sadd.s32 s1, s30  }
0xbd: {  	s0 =	sor.u32 s3, s0;
	s1 =	sshll.u32 s1, $0x11  }
0xbe: {  	s0 =	sor.u32 s1, s0  }
0xbf: {  	s0 =	sadd.s32 $0x8F2B, s0  }
0xc0: {  	[sflag:s0] =	ssyncadd.remote.s32 $0x1  }
0xc1: {  	_ =	sfence.sel $0xFFFF  }
0xc2: {  	[dreg:$0x0] =	wrdreg $0xFFFFFFFF;
	(pc) =	sbr.abs _section_cstart, $3  }
0xc3: {  	[dreg:$0x1] =	wrdreg $0xFFFFFFFF  }
0xc4: {  	_ =	task.clear_ibuf [dreg:s8], $0x2FFFF;
	_ =	strace $0x9FFFFFFF  }
0xc5: {  	(tm) =	ssettm $0x7FFFFFFF  }
tec
execute0_lowered:
.L_overlay_start_1:
0x0: {  	(tag) =	ssettag $0x1  }
0x1: {  	s7 =	rddreg [dreg:$0x0]  }
0x2: {  	s1 =	rddreg [dreg:$0x1]  }
0x3: {  	s9 =	rddreg [dreg:$0x2]  }
0x4: {  	s2 =	rddreg [dreg:$0x3]  }
0x5: {  	s0 =	rddreg [dreg:$0x4]  }
0x6: {  	s3 =	simm.s32 $0x0;
	s8 =	srdreg.scid;
	s15 =	stileid.u32  }
0x7: {  	s20 =	simm.s32 $0x100;
	s21 =	simm.s32 $0x2900;
	s22 =	simm.s32 $0x1  }
0x8: {  	s23 =	simm.s32 $0x2;
	[smem:$0x7FF] =	sst s3;
	s4 =	sadd.s32 $0x24A00, s7  }
0x9: {  	s5 =	sadd.s32 $0x4A00, s7;
	s6 =	sadd.s32 $0x14A00, s7;
	s10 =	smul.u32 $0x4E000, s15  }
0xa: {  	s8 =	sand.u32 $0x1, s8;
	s13 =	sadd.s32 $0x76E00, s7;
	s14 =	smul.u32 $0x13800, s15  }
0xb: {  	s29 =	sshll.u32 s15, $0x6;
	s19 =	sadd.s32 $0x138000, s2;
	p0 =	sne.s32 s15, $0x0  }
0xc: {  	_ =	strace $0x8000004D;
	s24 =	ssub.s32 $0x2, s8;
	s12 =	sshll.u32 s8, $0x4  }
0xd: {  	s17 =	smul.u32 $0x138800, s8;
	s8 =	sor.u32 $0x1C03, s29;
	s11 =	sshrl.u32 s24, $0x1  }
0xe: {  	s25 =	sor.u32 s15, s12;
	s26 =	sshrl.u32 s10, $0x2;
	s28 =	sshrl.u32 s14, $0x3  }
0xf: {  	s16 =	ssub.s32 s24, s11;
	s18 =	sadd.s32 s26, s2;
	s7 =	sadd.s32 s9, s28  }
0x10: {  	s9 =	sadd.s32 $0x27000, s9;
	s30 =	sadd.s32 s14, s17;
	s10 =	sshll.u32 s25, $0xB  }
0x11: {  	s31 =	sshrl.u32 s17, $0x3;
	s11 =	smul.u32 $0x138800, s25;
	s17 =	sshrl.u32 @!p0 s19, $0x3  }
0x12: {  	s19 =	simm.s32 $0x50;
	s12 =	sshrl.u32 s30, $0x3;
	s14 =	smax.u32 s16, $0x1  }
0x13: {  	s15 =	sshrl.u32 s18, $0x3;
	s12 =	sadd.s32 s13, s12;
	s13 =	sadd.s32 s13, s31  }
0x14: {  	s16 =	simm.s32 $0x3;
	s18 =	simm.s32 $0x80;
	s13 =	sadd.s32 $0x27000, s13  }
.LBB2_1:
0x15: {  	[spmem:s15], [sflag:s8] =	dma.local [hbm:s7], $0x2700  }
0x16: {  	_ =	swait.ge [sflag:s16], $0x2700  }
0x17: {  	[sflag:s16] =	ssyncset.done $0x0  }
0x18: {  	s24 =	simm.s32 @!p0 $0x3;
	[sflag:s16] =	ssyncadd.s32 $0xFFFFD900  }
0x19: {  	[spmem:s17], [sflag:s8] =	dma.local @!p0 [hbm:s9], $0x100  }
0x1a: {  	_ =	swait.ge @!p0 [sflag:s24], $0x100  }
0x1b: {  	[sflag:s24] =	ssyncset.done @!p0 $0x0  }
0x1c: {  	[sflag:s24] =	ssyncadd.s32 @!p0 $0xFFFFFF00  }
0x1d: {  	s24 =	simm.s32 $0x0;
	[bflag:$0x0] =	sbarrier.arrive $0xFFFF  }
.LBB2_2:
0x1e: {  	s25 =	sshll.u32 s24, $0x4  }
0x1f: {  	s25 =	sadd.s32 s10, s25  }
0x20: {  	s28 =	simm.s32 $0x0;
	s26 =	sadd.s32 s5, s25  }
0x21: {  	[tilespmem:s28], [sflag:$0x3] =	stream.linear.gather [hbm4b:s26+s28], $0x80, $0x38;
	[tilespmem:$0x18980] =	vst v63  }
0x22: {  	_ =	swait.ge [sflag:s16], $0x80  }
0x23: {  	[sflag:s16] =	ssyncset.done $0x0  }
0x24: {  	s31 =	smul.u32 $0x2800, s24;
	s25 =	sadd.s32 s6, s25;
	[sflag:s16] =	ssyncadd.s32 $0xFFFFFF80  }
0x25: {  	[tilespmem:s18], [sflag:$0x3] =	stream.linear.gather [hbm4b:s25+s28], $0x80, $0x38;
	[tilespmem:$0x18980] =	vst v63  }
0x26: {  	_ =	swait.ge [sflag:s16], $0x80  }
0x27: {  	s25 =	sadd.s32 s11, s31;
	[sflag:s16] =	ssyncset.done $0x0  }
0x28: {  	s25 =	sshrl.u32 s25, $0x3;
	[sflag:s16] =	ssyncadd.s32 $0xFFFFFF80  }
0x29: {  	[tilespmem:s20], [sflag:$0x1] =	stream.indirect.gather [hbm4b:s4+s19], $0x80, s28, s19, $0xb8;
	[tilespmem:$0x18980] =	vst v63  }
0x2a: {  	s25 =	sadd.s32 s1, s25  }
0x2b: {  	[tilespmem:s21], [sflag:$0x2] =	stream.linear.gather [hbm4b:s25+s28], $0x2800, $0x38;
	[tilespmem:$0x18980] =	vst v63  }
0x2c: {  	_ =	swait.ge [sflag:s22], $0x2800  }
0x2d: {  	[sflag:s22] =	ssyncset.done $0x0  }
0x2e: {  	[sflag:s22] =	ssyncadd.s32 $0xFFFFD800  }
0x2f: {  	_ =	swait.ge [sflag:s23], $0x2800  }
0x30: {  	[sflag:s23] =	ssyncset.done $0x0  }
0x31: {  	s25 =	simm.s32 $0x0;
	[sflag:s23] =	ssyncadd.s32 $0xFFFFD800  }
0x32: {  	v6 =	vld [tilespmem:s25+$0x2900]  }
0x33: {  	v11 =	vld [tilespmem:s25+$0x2910]  }
0x34: {  	v5 =	vld [tilespmem:s25+$0x2920]  }
0x35: {  	v4 =	vld [tilespmem:s25+$0x2930]  }
0x36: {  	v3 =	vld [tilespmem:s25+$0x2940]  }
0x37: {  	v2 =	vld [tilespmem:s25+$0x2950]  }
0x38: {  	v1 =	vld [tilespmem:s25+$0x2960]  }
0x39: {  	v0 =	vld [tilespmem:s25+$0x2970]  }
0x3a: {  	v12 =	vld [tilespmem:s25+$0x100]  }
0x3b: {  	v13 =	vld [tilespmem:s25+$0x110]  }
0x3c: {  	v10 =	vld [tilespmem:s25+$0x120]  }
0x3d: {  	v9 =	vld [tilespmem:s25+$0x130]  }
0x3e: {  	v8 =	vld [tilespmem:s25+$0x140]  }
0x3f: {  	v7 =	vld [tilespmem:s25+$0x150];
	v12 =	vadd.f32 v6, v12  }
0x40: {  	s26 =	simm.s32 $0x200;
	v11 =	vadd.f32 v11, v13;
	v6 =	vld [tilespmem:s25+$0x160]  }
.LBB2_3:
0x41: {  	s28 =	sshra.s32 s26, $0x2;
	p1 =	sne.s32 s26, $0x9E00;
	v12 =	vmax.f32 v12, $0.0e+00;
	v5 =	vadd.f32 v5, v10;
	v10 =	vld [tilespmem:s25+$0x170]  }
0x42: {  	v13 =	vld [tilespmem:s28+$0x2900];
	[tilespmem:s25+$0x100] =	vst v12;
	v11 =	vmax.f32 v11, $0.0e+00;
	v4 =	vadd.f32 v4, v9  }
0x43: {  	v14 =	vld [tilespmem:s28+$0x2910];
	[tilespmem:s25+$0x110] =	vst v11;
	v9 =	vmax.f32 v5, $0.0e+00;
	v3 =	vadd.f32 v3, v8  }
0x44: {  	v5 =	vld [tilespmem:s28+$0x2920];
	[tilespmem:s25+$0x120] =	vst v9;
	v8 =	vmax.f32 v4, $0.0e+00;
	v2 =	vadd.f32 v2, v7  }
0x45: {  	v4 =	vld [tilespmem:s28+$0x2930];
	[tilespmem:s25+$0x130] =	vst v8;
	v7 =	vmax.f32 v3, $0.0e+00;
	v1 =	vadd.f32 v1, v6  }
0x46: {  	v3 =	vld [tilespmem:s28+$0x2940];
	[tilespmem:s25+$0x140] =	vst v7;
	v6 =	vmax.f32 v2, $0.0e+00;
	v0 =	vadd.f32 v0, v10  }
0x47: {  	v2 =	vld [tilespmem:s28+$0x2950];
	[tilespmem:s25+$0x150] =	vst v6;
	v6 =	vmax.f32 v1, $0.0e+00  }
0x48: {  	v1 =	vld [tilespmem:s28+$0x2960];
	[tilespmem:s25+$0x160] =	vst v6;
	v6 =	vmax.f32 v0, $0.0e+00  }
0x49: {  	v0 =	vld [tilespmem:s28+$0x2970];
	[tilespmem:s25+$0x170] =	vst v6;
	s25 =	smov.u32 s28  }
0x4a: {  	v6 =	vld [tilespmem:s25+$0x100]  }
0x4b: {  	v11 =	vld [tilespmem:s25+$0x110]  }
.Ltmp0:
0x4c: {  	v10 =	vld [tilespmem:s25+$0x120];
	(pc) =	sbr.rel @p1 .LBB2_3-.Ltmp0, $4  }
0x4d: {  	v9 =	vld [tilespmem:s25+$0x130]  }
0x4e: {  	v8 =	vld [tilespmem:s25+$0x140]  }
0x4f: {  	v12 =	vadd.f32 v13, v6;
	v7 =	vld [tilespmem:s25+$0x150]  }
0x50: {  	s26 =	sadd.s32 $0x200, s26;
	v11 =	vadd.f32 v14, v11;
	v6 =	vld [tilespmem:s25+$0x160]  }
0x51: {  	v12 =	vmax.f32 v12, $0.0e+00;
	v5 =	vadd.f32 v5, v10;
	v63 =	vld [tilespmem:s25+$0x170]  }
0x52: {  	[tilespmem:s25+$0x100] =	vst v12;
	v11 =	vmax.f32 v11, $0.0e+00;
	v4 =	vadd.f32 v4, v9  }
0x53: {  	[tilespmem:s25+$0x110] =	vst v11;
	v5 =	vmax.f32 v5, $0.0e+00;
	v3 =	vadd.f32 v3, v8  }
0x54: {  	[tilespmem:s25+$0x120] =	vst v5;
	v4 =	vmax.f32 v4, $0.0e+00;
	v2 =	vadd.f32 v2, v7  }
0x55: {  	[tilespmem:s25+$0x130] =	vst v4;
	v3 =	vmax.f32 v3, $0.0e+00;
	v1 =	vadd.f32 v1, v6  }
0x56: {  	[tilespmem:s25+$0x140] =	vst v3;
	v2 =	vmax.f32 v2, $0.0e+00;
	v0 =	vadd.f32 v0, v63  }
0x57: {  	s24 =	sadd.s32 $0x1, s24;
	[tilespmem:s25+$0x150] =	vst v2;
	v1 =	vmax.f32 v1, $0.0e+00  }
0x58: {  	p1 =	sne.s32 s24, $0x7D;
	[tilespmem:s25+$0x160] =	vst v1;
	v0 =	vmax.f32 v0, $0.0e+00  }
.Ltmp1:
0x59: {  	[tilespmem:s25+$0x170] =	vst v0;
	(pc) =	sbr.rel @p1 .LBB2_2-.Ltmp1, $4  }
0x5a: {  	[spmem:s2] =	stream.indirect.scatter.add.f32 [tilespmem:s20], [sflag:$0x3], $0x80, s18, s19, $0xb8;
	[tilespmem:$0x18980] =	vst v63  }
0x5b: {  	_ =	swait.ge [sflag:s16], $0x2800  }
0x5c: {  	[sflag:s16] =	ssyncset.done $0x0  }
0x5d: {  	[sflag:s16] =	ssyncadd.s32 $0xFFFFD800  }
0x5e: {  	[bflag:$0x0] =	sbarrier.arrive $0xFFFF  }
0x5f: {  	[hbm:s12], [sflag:s8] =	dma.local [spmem:s15], $0x2700  }
0x60: {  	s3 =	sadd.s32 $0x1, s3;
	_ =	swait.ge [sflag:s16], $0x2700  }
0x61: {  	p1 =	sne.s32 s3, s14;
	[sflag:s16] =	ssyncset.done $0x0  }
.Ltmp2:
0x62: {  	s24 =	simm.s32 @!p0 $0x3;
	[sflag:s16] =	ssyncadd.s32 $0xFFFFD900;
	(pc) =	sbr.rel @p1 .LBB2_1-.Ltmp2, $4  }
0x63: {  	[hbm:s13], [sflag:s8] =	dma.local @!p0 [spmem:s17], $0x100  }
0x64: {  	_ =	swait.ge @!p0 [sflag:s24], $0x100  }
0x65: {  	[sflag:s24] =	ssyncset.done @!p0 $0x0  }
0x66: {  	[sflag:s24] =	ssyncadd.s32 @!p0 $0xFFFFFF00  }
0x67: {  	_ =	sfence.sel $0x180000  }
0x68: {  	[bflag:$0x0] =	sbarrier.arrive $0xFFFF  }
0x69: {  	_ =	strace $0x9000004D  }
0x6a: {  	s0 =	sadd.s32 @!p0 $0x100000, s0;
	[bflag:$0x2] =	sbarrier.arrive $0xFFFF  }
0x6b: {  	[sflag:s0] =	ssyncadd.tile.s32 @!p0 $0x1;
	_ =	shalt  }
.Lfunc_end2:
_tile_overlayer_lowered:
.L_overlay_start_2:
0x6c: {  	(tag) =	ssettag $0x2  }
0x6d: {  	s0 =	rddreg [dreg:$0x0];
	s2 =	stileid.u32  }
0x6e: {  	s1 =	rddreg [dreg:$0x1];
	p0 =	sne.s32 s2, $0x0  }
0x6f: {  	s3 =	rddreg [dreg:$0x2];
	[bflag:$0x3] =	sbarrier.arrive $0xFFFF;
	s2 =	simm.s32 @!p0 $0x1C03  }
0x70: {  	[timem:s3], [sflag:s2] =	dma.local @!p0 [hbm:s0], s1  }
0x71: {  	s0 =	simm.s32 @!p0 $0x3  }
0x72: {  	_ =	swait.ge @!p0 [sflag:s0], s1  }
0x73: {  	s1 =	ssub.s32 @!p0 $0x0, s1;
	[sflag:s0] =	ssyncset.done @!p0 $0x0  }
0x74: {  	[sflag:s0] =	ssyncadd.s32 @!p0 s1  }
0x75: {  	[bflag:$0x3] =	sbarrier.arrive $0xFFFF  }
0x76: {  	_ =	shalt  }

</sc_bundles>
